<compile_context>
chip_gen: v7x
topology: tpu7x:2x2x1
jax: 0.10.2.dev20260603
libtpu: 0.0.44.dev20260713+nightly
codegen_flags: <defaults>
</compile_context>

<pallas_src>
import functools

import jax
import jax.numpy as jnp
from jax import lax
from jax.experimental import pallas as pl
from jax.experimental.pallas import tpu as pltpu
from jax.experimental.pallas import tpu_sc as plsc

EC = 512
QB = 128
SC_CH = 128
NW = 32
NEG = -1e30


def _sc_gather(idx_pad, table, l_pad):
    n_per_w = l_pad // NW
    n_chunks = n_per_w // SC_CH
    mesh = plsc.VectorSubcoreMesh(core_axis_name="c", subcore_axis_name="s")

    @functools.partial(
        pl.kernel,
        mesh=mesh,
        out_type=jax.ShapeDtypeStruct((l_pad, table.shape[1]), jnp.float32),
        scratch_types=[
            pltpu.VMEM((SC_CH,), jnp.int32),
            pltpu.VMEM((SC_CH, table.shape[1]), jnp.float32),
            pltpu.SemaphoreType.DMA,
        ],
    )
    def k(idx_hbm, table_hbm, out_hbm, idx_v, rows_v, sem):
        wid = lax.axis_index("s") * 2 + lax.axis_index("c")

        def body(j, carry):
            base = wid * n_per_w + j * SC_CH
            pltpu.sync_copy(idx_hbm.at[pl.ds(base, SC_CH)], idx_v)
            pltpu.async_copy(table_hbm.at[idx_v], rows_v, sem).wait()
            pltpu.sync_copy(rows_v, out_hbm.at[pl.ds(base, SC_CH)])
            return carry

        lax.fori_loop(0, n_chunks, body, 0)

    return k(idx_pad, table)


def _tc_main(starts, g, dst_pad, lat8, w_lift, b_lift, wk0, bk0, wk1, bk1,
             wk2, bk2, wk3, bk3, n_qb):
    m = n_qb * QB

    def body(starts_ref, g_ref, dst_ref, lat_ref, wl, bl, w0, b0, w1, b1,
             w2, b2, w3, b3, agg_ref, stats_ref, gc, dstc,
             sem_g, sem_d, sums_acc, mm_acc, agg0v, agg1v, denv):
        q = pl.program_id(0)
        e0 = starts_ref[q]
        e1 = starts_ref[q + 1]
        nch = (e1 - e0 + EC - 1) // EC
        iota_q = lax.broadcasted_iota(jnp.int32, (EC, QB), 1) + q * QB

        sums_acc[...] = jnp.zeros_like(sums_acc)
        mm_acc[...] = jnp.full_like(mm_acc, NEG)
        agg0v[...] = jnp.zeros_like(agg0v)
        agg1v[...] = jnp.zeros_like(agg1v)
        denv[...] = jnp.zeros_like(denv)

        def cp_f(j):
            st = e0 + j * EC
            s = lax.rem(j, 2)
            return (
                pltpu.make_async_copy(
                    g_ref.at[pl.ds(st, EC)], gc.at[s], sem_g.at[s]),
                pltpu.make_async_copy(
                    dst_ref.at[pl.ds(st, EC)], dstc.at[s], sem_d.at[s]))

        def geom(dv, y2):
            oh = (dv[:, 0:1] == iota_q).astype(jnp.float32)
            x2 = jnp.dot(oh, lat_ref[...],
                         preferred_element_type=jnp.float32)[:, 0:2]
            ny = jnp.sqrt(jnp.sum(y2 * y2, axis=1, keepdims=True))
            nx = jnp.sqrt(jnp.sum(x2 * x2, axis=1, keepdims=True))
            cos = jnp.sum(y2 * x2, axis=1, keepdims=True) / (ny * nx + 1e-8)
            return oh, x2, cos

        @pl.when(nch > 0)
        def _():
            for c in cp_f(0):
                c.start()

        def p(j, carry):
            @pl.when(j + 1 < nch)
            def _():
                for c in cp_f(j + 1):
                    c.start()
            for c in cp_f(j):
                c.wait()
            s = lax.rem(j, 2)
            dv = dstc[pl.ds(s, 1)][0]
            gr = gc[pl.ds(s, 1)][0]
            y2 = gr[:, 0:2]
            oh, x2, cos = geom(dv, y2)
            mask = oh > 0.0
            rel = y2 - x2
            vals = jnp.concatenate(
                [rel, rel * rel, jnp.ones((EC, 1), jnp.float32),
                 jnp.zeros((EC, 3), jnp.float32)], axis=1)
            sums_acc[...] += lax.dot_general(
                oh, vals, (((0,), (0,)), ((), ())),
                preferred_element_type=jnp.float32)
            rows = jnp.concatenate(
                [rel[:, 0:1], rel[:, 1:2], -rel[:, 0:1], -rel[:, 1:2]], axis=1)
            for r in range(4):
                mm_acc[r + 1:r + 2, :] = jnp.maximum(
                    mm_acc[r + 1:r + 2, :],
                    jnp.max(jnp.where(mask, rows[:, r:r + 1], NEG), axis=0,
                            keepdims=True))
            cmax = jnp.max(jnp.where(mask, cos, NEG), axis=0, keepdims=True)
            m_old = mm_acc[0:1, :]
            m_new = jnp.maximum(m_old, cmax)
            mm_acc[0:1, :] = m_new
            amax0 = jnp.where(m_new > NEG * 0.5, m_new, 0.0)
            am = jnp.max(jnp.where(mask, amax0, 0.0), axis=1, keepdims=True)
            ex = jnp.exp(cos - am)
            scale = jnp.exp(m_old - m_new)
            scT = jnp.swapaxes(scale, 0, 1)
            h = jnp.concatenate([y2, x2], axis=1)
            h = jax.nn.gelu(jnp.dot(h, w0[...],
                                    preferred_element_type=jnp.float32)
                            + b0[...])
            h = jax.nn.gelu(jnp.dot(h, w1[...],
                                    preferred_element_type=jnp.float32)
                            + b1[...])
            h = jax.nn.gelu(jnp.dot(h, w2[...],
                                    preferred_element_type=jnp.float32)
                            + b2[...])
            kv = jnp.dot(h, w3[...],
                         preferred_element_type=jnp.float32) + b3[...]
            exk = ex * kv
            f0 = jnp.dot(gr[:, 2:18], wl[...],
                         preferred_element_type=jnp.float32) + bl[...]
            f1 = jnp.dot(gr[:, 18:34], wl[...],
                         preferred_element_type=jnp.float32) + bl[...]
            cdims = (((0,), (0,)), ((), ()))
            agg0v[...] = agg0v[...] * scT + lax.dot_general(
                oh, exk * f0, cdims, preferred_element_type=jnp.float32)
            agg1v[...] = agg1v[...] * scT + lax.dot_general(
                oh, exk * f1, cdims, preferred_element_type=jnp.float32)
            exp8 = jnp.concatenate(
                [jnp.zeros((EC, 5), jnp.float32), ex,
                 jnp.zeros((EC, 2), jnp.float32)], axis=1)
            denv[...] = denv[...] * scT + lax.dot_general(
                oh, exp8, cdims, preferred_element_type=jnp.float32)
            return carry

        lax.fori_loop(0, nch, p, 0)

        den = denv[:, 5:6] + 1e-8
        agg_ref[0] = agg0v[...] / den
        agg_ref[1] = agg1v[...] / den

        cnt = sums_acc[:, 4:5]
        safe = jnp.maximum(cnt, 1.0)
        mean = sums_acc[:, 0:2] / safe
        m2 = sums_acc[:, 2:4] / safe
        std = jnp.sqrt(jnp.maximum(m2 - mean * mean, 0.0) + 1e-8)
        mxT = jnp.swapaxes(mm_acc[1:3, :], 0, 1)
        mnT = jnp.swapaxes(mm_acc[3:5, :], 0, 1)
        mx = jnp.where(mxT > NEG * 0.5, mxT, 0.0)
        mn = jnp.where(mnT > NEG * 0.5, -mnT, 0.0)
        stats_ref[...] = jnp.concatenate(
            [mean, std, mx, mn, cnt, jnp.zeros((QB, 7), jnp.float32)], axis=1)

    grid_spec = pltpu.PrefetchScalarGridSpec(
        num_scalar_prefetch=1,
        grid=(n_qb,),
        in_specs=[
            pl.BlockSpec(memory_space=pl.ANY),
            pl.BlockSpec(memory_space=pl.ANY),
            pl.BlockSpec((QB, 8), lambda q, s: (q, 0)),
            pl.BlockSpec((16, 64), lambda q, s: (0, 0)),
            pl.BlockSpec((1, 64), lambda q, s: (0, 0)),
            pl.BlockSpec((4, 64), lambda q, s: (0, 0)),
            pl.BlockSpec((1, 64), lambda q, s: (0, 0)),
            pl.BlockSpec((64, 64), lambda q, s: (0, 0)),
            pl.BlockSpec((1, 64), lambda q, s: (0, 0)),
            pl.BlockSpec((64, 64), lambda q, s: (0, 0)),
            pl.BlockSpec((1, 64), lambda q, s: (0, 0)),
            pl.BlockSpec((64, 64), lambda q, s: (0, 0)),
            pl.BlockSpec((1, 64), lambda q, s: (0, 0)),
        ],
        out_specs=[
            pl.BlockSpec((2, QB, 64), lambda q, s: (0, q, 0)),
            pl.BlockSpec((QB, 16), lambda q, s: (q, 0)),
        ],
        scratch_shapes=[
            pltpu.VMEM((2, EC, 128), jnp.float32),
            pltpu.VMEM((2, EC, 1), jnp.int32),
            pltpu.SemaphoreType.DMA((2,)),
            pltpu.SemaphoreType.DMA((2,)),
            pltpu.VMEM((QB, 8), jnp.float32),
            pltpu.VMEM((8, QB), jnp.float32),
            pltpu.VMEM((QB, 64), jnp.float32),
            pltpu.VMEM((QB, 64), jnp.float32),
            pltpu.VMEM((QB, 8), jnp.float32),
        ],
    )
    return pl.pallas_call(
        body,
        grid_spec=grid_spec,
        out_shape=[
            jax.ShapeDtypeStruct((2, m, 64), jnp.float32),
            jax.ShapeDtypeStruct((m, 16), jnp.float32),
        ],
    )(starts, g, dst_pad, lat8, w_lift, b_lift, wk0, bk0, wk1, bk1,
      wk2, bk2, wk3, bk3)


def _tc_final(agg, stats, wge1p, bge1, wge2, bge2, wr1, wr2, brec):
    m = stats.shape[0]

    def body(agg_ref, st_ref, w1, b1, w2, b2, wa, wg, br, out_ref):
        s = st_ref[...]
        cnt = s[:, 8:9]
        cm = jnp.maximum(jnp.max(cnt), 1.0)
        sn = jnp.concatenate(
            [s[:, 0:8], cnt / cm, jnp.zeros((m, 7), jnp.float32)], axis=1)
        h = jax.nn.gelu(jnp.dot(sn, w1[...],
                                preferred_element_type=jnp.float32) + b1[...])
        ge = jnp.dot(h, w2[...], preferred_element_type=jnp.float32) + b2[...]
        gew = jnp.dot(ge, wg[...], preferred_element_type=jnp.float32) + br[...]
        out_ref[0] = jnp.dot(agg_ref[0], wa[...],
                             preferred_element_type=jnp.float32) + gew
        out_ref[1] = jnp.dot(agg_ref[1], wa[...],
                             preferred_element_type=jnp.float32) + gew

    return pl.pallas_call(
        body,
        out_shape=jax.ShapeDtypeStruct((2, m, 64), jnp.float32),
    )(agg, stats, wge1p, bge1, wge2, bge2, wr1, wr2, brec)


def kernel(x_coord, pndata, latent_tokens_coord, nbr_src, nbr_dst,
           W_lift, b_lift, Wk0, bk0, Wk1, bk1, Wk2, bk2, Wk3, bk3,
           W_ge1, b_ge1, W_ge2, b_ge2, W_rec, b_rec):
    n = x_coord.shape[0]
    m = latent_tokens_coord.shape[0]
    e = nbr_src.shape[0]
    n_qb = m // QB

    table = jnp.concatenate(
        [x_coord, pndata[0], pndata[1],
         jnp.zeros((n, 128 - 2 - 2 * pndata.shape[2]), jnp.float32)], axis=1)

    l_pad = ((e + EC + NW * SC_CH - 1) // (NW * SC_CH)) * (NW * SC_CH)
    src = nbr_src.astype(jnp.int32)
    dst = nbr_dst.astype(jnp.int32)
    idx_pad = jnp.concatenate(
        [src, jnp.zeros((l_pad - e,), jnp.int32)])
    dst_pad = jnp.concatenate(
        [dst, jnp.full((l_pad - e,), m, jnp.int32)])

    starts = jnp.searchsorted(
        dst_pad, jnp.arange(0, m + 1, QB, dtype=jnp.int32),
        side="left").astype(jnp.int32)

    g = _sc_gather(idx_pad, table, l_pad)

    lat8 = jnp.concatenate(
        [latent_tokens_coord, jnp.zeros((m, 6), jnp.float32)], axis=1)
    agg, stats = _tc_main(
        starts, g, dst_pad.reshape(l_pad, 1), lat8,
        W_lift, b_lift.reshape(1, 64),
        Wk0, bk0.reshape(1, 64), Wk1, bk1.reshape(1, 64),
        Wk2, bk2.reshape(1, 64), Wk3, bk3.reshape(1, 64), n_qb)

    wge1p = jnp.concatenate(
        [W_ge1, jnp.zeros((7, W_ge1.shape[1]), jnp.float32)], axis=0)
    return _tc_final(agg, stats, wge1p, b_ge1.reshape(1, 64),
                     W_ge2, b_ge2.reshape(1, 64),
                     W_rec[:64], W_rec[64:], b_rec.reshape(1, 64))

# --- scband reference (transcript-rebuilt; emitter-appended) ---
"""Pipeline reference for scband-magnoencoder-82575041233029 (READ-ONLY COPY).

The authoritative reference and input builder live on the scoring server;
editing this copy changes nothing except your own understanding.
"""

import jax, jax.numpy as jnp
import numpy as np

N = 50000
M = 4096
B = 2
CIN = 16
COUT = 64
H = 64
RADIUS = 0.02


def _radius_neighbors(data, queries, radius):
    srcs, dsts = [], []
    r2 = radius * radius
    chunk = 512
    for s in range(0, queries.shape[0], chunk):
        q = queries[s:s + chunk]
        d2 = ((q[:, None, :] - data[None, :, :]) ** 2).sum(-1)
        qi, di = np.nonzero(d2 <= r2)
        dsts.append((qi + s).astype(np.int64))
        srcs.append(di.astype(np.int64))
    return np.concatenate(srcs), np.concatenate(dsts)


def setup_inputs():
    rng = np.random.default_rng(0)
    x_coord = rng.random((N, 2)).astype(np.float32)
    pndata = rng.standard_normal((B, N, CIN)).astype(np.float32)
    latent = rng.random((M, 2)).astype(np.float32)
    nbr_src, nbr_dst = _radius_neighbors(x_coord, latent, RADIUS)

    def lin(i, o):
        return rng.standard_normal((i, o)).astype(np.float32) / np.sqrt(i), np.zeros((o,), np.float32)

    W_lift, b_lift = lin(CIN, COUT)
    Wk0, bk0 = lin(4, H)
    Wk1, bk1 = lin(H, H)
    Wk2, bk2 = lin(H, H)
    Wk3, bk3 = lin(H, COUT)
    W_ge1, b_ge1 = lin(9, H)
    W_ge2, b_ge2 = lin(H, COUT)
    W_rec, b_rec = lin(2 * COUT, COUT)
    out = {"x_coord": x_coord, "pndata": pndata, "latent_tokens_coord": latent,
           "nbr_src": nbr_src, "nbr_dst": nbr_dst,
           "W_lift": W_lift, "b_lift": b_lift,
           "Wk0": Wk0, "bk0": bk0, "Wk1": Wk1, "bk1": bk1,
           "Wk2": Wk2, "bk2": bk2, "Wk3": Wk3, "bk3": bk3,
           "W_ge1": W_ge1, "b_ge1": b_ge1, "W_ge2": W_ge2, "b_ge2": b_ge2,
           "W_rec": W_rec, "b_rec": b_rec}
    return {k: jnp.asarray(v) for k, v in out.items()}


def reference(x_coord, pndata, latent_tokens_coord, nbr_src, nbr_dst,
              W_lift, b_lift, Wk0, bk0, Wk1, bk1, Wk2, bk2, Wk3, bk3,
              W_ge1, b_ge1, W_ge2, b_ge2, W_rec, b_rec):
    Mq = latent_tokens_coord.shape[0]
    # lifting (ChannelMLP, 1 layer)
    f = pndata @ W_lift + b_lift  # [B, N, COUT]
    # gather edge endpoint coordinates
    y = x_coord[nbr_src]  # [E, 2] physical (data) coords
    x = latent_tokens_coord[nbr_dst]  # [E, 2] latent (query) coords
    # kernel MLP on concat(y, x) -> [E, COUT]  (linear transform type)
    h = jnp.concatenate([y, x], axis=-1)
    h = jax.nn.gelu(h @ Wk0 + bk0)
    h = jax.nn.gelu(h @ Wk1 + bk1)
    h = jax.nn.gelu(h @ Wk2 + bk2)
    k = h @ Wk3 + bk3
    # cosine attention over neighbors (segment softmax per query)
    cos = (y * x).sum(-1) / (jnp.linalg.norm(y, axis=-1) * jnp.linalg.norm(x, axis=-1) + 1e-8)
    amax = jax.ops.segment_max(cos, nbr_dst, num_segments=Mq)
    amax = jnp.where(jnp.isfinite(amax), amax, 0.0)
    ex = jnp.exp(cos - amax[nbr_dst])
    denom = jax.ops.segment_sum(ex, nbr_dst, num_segments=Mq)
    alpha = ex / (denom[nbr_dst] + 1e-8)
    # integral transform: weighted scatter-add of k(x,y) * f(y)
    msg = k[None, :, :] * f[:, nbr_src, :] * alpha[None, :, None]  # [B, E, COUT]
    agg = jax.vmap(lambda m: jax.ops.segment_sum(m, nbr_dst, num_segments=Mq))(msg)  # [B, M, COUT]
    # geometric embedding: statistical features of relative neighbor coords
    rel = y - x
    cnt = jax.ops.segment_sum(jnp.ones_like(cos), nbr_dst, num_segments=Mq)
    safe = jnp.maximum(cnt, 1.0)
    mean = jax.ops.segment_sum(rel, nbr_dst, num_segments=Mq) / safe[:, None]
    m2 = jax.ops.segment_sum(rel * rel, nbr_dst, num_segments=Mq) / safe[:, None]
    std = jnp.sqrt(jnp.maximum(m2 - mean * mean, 0.0) + 1e-8)
    mx = jax.ops.segment_max(rel, nbr_dst, num_segments=Mq)
    mx = jnp.where(jnp.isfinite(mx), mx, 0.0)
    mn = jax.ops.segment_min(rel, nbr_dst, num_segments=Mq)
    mn = jnp.where(jnp.isfinite(mn), mn, 0.0)
    stats = jnp.concatenate([mean, std, mx, mn, (cnt / jnp.maximum(cnt.max(), 1.0))[:, None]], axis=-1)  # [M, 9]
    ge = jax.nn.gelu(stats @ W_ge1 + b_ge1) @ W_ge2 + b_ge2  # [M, COUT]
    # recovery MLP on concat(integral, geoembed)
    cat = jnp.concatenate([agg, jnp.broadcast_to(ge[None, :, :], (agg.shape[0], Mq, ge.shape[-1]))], axis=-1)
    return cat @ W_rec + b_rec  # [B, M, COUT]

if __name__ == "__main__":
    import jax
    _d = setup_inputs()
    print(jax.jit(kernel)(*tuple(_d.values())))

</pallas_src>

<mosaic_0001>
#map = affine_map<(d0, d1) -> (0)>
#map1 = affine_map<(d0, d1) -> (0, 0)>
module attributes {stable_mosaic.version = 14 : i64} {
  func.func @k(%arg0: i32, %arg1: i32, %arg2: memref<253952xi32, #tpu.memory_space<hbm>>, %arg3: memref<50000x128xf32, #tpu.memory_space<hbm>>, %arg4: memref<253952x128xf32, #tpu.memory_space<hbm>>, %arg5: memref<128xi32, #tpu.memory_space<vmem>>, %arg6: memref<128x128xf32, #tpu.memory_space<vmem>>, %arg7: memref<!tpu.dma_semaphore, #tpu.memory_space<semaphore_mem>>) attributes {dimension_semantics = [#tpu.dimension_semantics<core_parallel>, #tpu.dimension_semantics<subcore_parallel>], iteration_bounds = array<i64: 2, 16>, scalar_prefetch = 0 : i64, scratch_operands = 3 : i64, tpu.core_type = #tpu.core_type<sc_vector_subcore>, window_params = [{transform_indices = #map}, {transform_indices = #map1}, {transform_indices = #map1}]} {
    %mul3A = arith.constant 2 : i32
    %mul3A_0 = arith.muli %arg1, %mul3A : i32
    %add3A = arith.addi %mul3A_0, %arg0 : i32
    %scan3A = arith.constant 0 : i32
    %scan3A_1 = arith.constant 0 : i32
    %scan3A_2 = arith.constant 62 : i32
    %scan3A_3 = arith.addi %scan3A_1, %scan3A_2 : i32
    %scan3A_4 = arith.constant 1 : i32
    scf.for %scan3A_6 = %scan3A_1 to %scan3A_3 step %scan3A_4  : i32 {
      %mul3A_7 = arith.constant 7936 : i32
      %mul3A_8 = arith.muli %add3A, %mul3A_7 : i32
      %mul3A_9 = arith.constant 128 : i32
      %mul3A_10 = arith.muli %scan3A_6, %mul3A_9 : i32
      %add3A_11 = arith.addi %mul3A_8, %mul3A_10 : i32
      "tpu.region"() ({
        %run_scoped3A = tpu.sem_alloc : memref<!tpu.dma_semaphore, #tpu.memory_space<semaphore_mem>>
        %dma_start3A_16 = tpu.memref_slice %arg2[%add3A_11] : memref<253952xi32, #tpu.memory_space<hbm>> -> memref<128xi32, #tpu.memory_space<hbm>>
        %dma_start3A_17 = tpu.memref_slice %arg2[%add3A_11] : memref<253952xi32, #tpu.memory_space<hbm>> -> memref<128xi32, #tpu.memory_space<hbm>>
        tpu.enqueue_dma source(%dma_start3A_17 : memref<128xi32, #tpu.memory_space<hbm>>) target(%arg5 : memref<128xi32, #tpu.memory_space<vmem>>) target_semaphore(%run_scoped3A : memref<!tpu.dma_semaphore, #tpu.memory_space<semaphore_mem>>)
        %dma_wait3A_18 = tpu.memref_slice %arg2[%add3A_11] : memref<253952xi32, #tpu.memory_space<hbm>> -> memref<128xi32, #tpu.memory_space<hbm>>
        %dma_wait3A_19 = tpu.memref_slice %arg2[%add3A_11] : memref<253952xi32, #tpu.memory_space<hbm>> -> memref<128xi32, #tpu.memory_space<hbm>>
        tpu.wait_dma2 semaphore(%run_scoped3A : memref<!tpu.dma_semaphore, #tpu.memory_space<semaphore_mem>>) src(%dma_wait3A_19 : memref<128xi32, #tpu.memory_space<hbm>>) dst(%arg5 : memref<128xi32, #tpu.memory_space<vmem>>)
        tpu.yield
      }) : () -> ()
      %dma_start3A = arith.constant 0 : i32
      %dma_start3A_12 = arith.constant 0 : i32
      %dma_start3A_13 = tpu.memref_slice %arg3[%dma_start3A, %dma_start3A_12] : memref<50000x128xf32, #tpu.memory_space<hbm>> -> memref<50000x128xf32, #tpu.memory_space<hbm>>
      tpu.enqueue_indirect_dma source(%dma_start3A_13 : memref<50000x128xf32, #tpu.memory_space<hbm>>) target(%arg6 : memref<128x128xf32, #tpu.memory_space<vmem>>) offsets(%arg5 : memref<128xi32, #tpu.memory_space<vmem>>) semaphore(%arg7 : memref<!tpu.dma_semaphore, #tpu.memory_space<semaphore_mem>>)
      %dma_wait3A = arith.constant 0 : i32
      %dma_wait3A_14 = arith.constant 0 : i32
      %dma_wait3A_15 = tpu.memref_slice %arg3[%dma_wait3A, %dma_wait3A_14] : memref<50000x128xf32, #tpu.memory_space<hbm>> -> memref<50000x128xf32, #tpu.memory_space<hbm>>
      tpu.wait_indirect_dma semaphore(%arg7 : memref<!tpu.dma_semaphore, #tpu.memory_space<semaphore_mem>>) src(%dma_wait3A_15 : memref<50000x128xf32, #tpu.memory_space<hbm>>) dst(%arg6 : memref<128x128xf32, #tpu.memory_space<vmem>>)
      "tpu.region"() ({
        %run_scoped3A = tpu.sem_alloc : memref<!tpu.dma_semaphore, #tpu.memory_space<semaphore_mem>>
        %dma_start3A_16 = arith.constant 0 : i32
        %dma_start3A_17 = tpu.memref_slice %arg4[%add3A_11, %dma_start3A_16] : memref<253952x128xf32, #tpu.memory_space<hbm>> -> memref<128x128xf32, #tpu.memory_space<hbm>>
        %dma_start3A_18 = arith.constant 0 : i32
        %dma_start3A_19 = tpu.memref_slice %arg4[%add3A_11, %dma_start3A_18] : memref<253952x128xf32, #tpu.memory_space<hbm>> -> memref<128x128xf32, #tpu.memory_space<hbm>>
        tpu.enqueue_dma source(%arg6 : memref<128x128xf32, #tpu.memory_space<vmem>>) target(%dma_start3A_19 : memref<128x128xf32, #tpu.memory_space<hbm>>) target_semaphore(%run_scoped3A : memref<!tpu.dma_semaphore, #tpu.memory_space<semaphore_mem>>)
        %dma_wait3A_20 = arith.constant 0 : i32
        %dma_wait3A_21 = tpu.memref_slice %arg4[%add3A_11, %dma_wait3A_20] : memref<253952x128xf32, #tpu.memory_space<hbm>> -> memref<128x128xf32, #tpu.memory_space<hbm>>
        %dma_wait3A_22 = arith.constant 0 : i32
        %dma_wait3A_23 = tpu.memref_slice %arg4[%add3A_11, %dma_wait3A_22] : memref<253952x128xf32, #tpu.memory_space<hbm>> -> memref<128x128xf32, #tpu.memory_space<hbm>>
        tpu.wait_dma2 semaphore(%run_scoped3A : memref<!tpu.dma_semaphore, #tpu.memory_space<semaphore_mem>>) src(%arg6 : memref<128x128xf32, #tpu.memory_space<vmem>>) dst(%dma_wait3A_23 : memref<128x128xf32, #tpu.memory_space<hbm>>)
        tpu.yield
      }) : () -> ()
    }
    %scan3A_5 = arith.constant 62 : i32
    return
  }
}

module attributes {stable_mosaic.version = 14 : i64} {
  func.func @body(%arg0: i32, %arg1: memref<33xi32, #tpu.memory_space<smem>>, %arg2: memref<253952x128xf32, #tpu.memory_space<any>>, %arg3: memref<253952x1xi32, #tpu.memory_space<any>>, %arg4: memref<128x8xf32, #tpu.memory_space<vmem>>, %arg5: memref<16x64xf32, #tpu.memory_space<vmem>>, %arg6: memref<1x64xf32, #tpu.memory_space<vmem>>, %arg7: memref<4x64xf32, #tpu.memory_space<vmem>>, %arg8: memref<1x64xf32, #tpu.memory_space<vmem>>, %arg9: memref<64x64xf32, #tpu.memory_space<vmem>>, %arg10: memref<1x64xf32, #tpu.memory_space<vmem>>, %arg11: memref<64x64xf32, #tpu.memory_space<vmem>>, %arg12: memref<1x64xf32, #tpu.memory_space<vmem>>, %arg13: memref<64x64xf32, #tpu.memory_space<vmem>>, %arg14: memref<1x64xf32, #tpu.memory_space<vmem>>, %arg15: memref<2x128x64xf32, #tpu.memory_space<vmem>>, %arg16: memref<128x16xf32, #tpu.memory_space<vmem>>, %arg17: memref<2x512x128xf32, #tpu.memory_space<vmem>>, %arg18: memref<2x512x1xi32, #tpu.memory_space<vmem>>, %arg19: memref<2x!tpu.dma_semaphore, #tpu.memory_space<semaphore_mem>>, %arg20: memref<2x!tpu.dma_semaphore, #tpu.memory_space<semaphore_mem>>, %arg21: memref<128x8xf32, #tpu.memory_space<vmem>>, %arg22: memref<8x128xf32, #tpu.memory_space<vmem>>, %arg23: memref<128x64xf32, #tpu.memory_space<vmem>>, %arg24: memref<128x64xf32, #tpu.memory_space<vmem>>, %arg25: memref<128x8xf32, #tpu.memory_space<vmem>>) attributes {dimension_semantics = [#tpu.dimension_semantics<arbitrary>], iteration_bounds = array<i64: 32>, scalar_prefetch = 1 : i64, scratch_operands = 9 : i64, tpu.core_type = #tpu.core_type<tc>, window_params = [{}, {}, {transform_indices = @transform_2, window_bounds = array<i64: 128, 8>}, {pipeline_mode = #tpu.pipeline_mode<synchronous>, transform_indices = @transform_3, window_bounds = array<i64: 16, 64>}, {pipeline_mode = #tpu.pipeline_mode<synchronous>, transform_indices = @transform_4, window_bounds = array<i64: 1, 64>}, {pipeline_mode = #tpu.pipeline_mode<synchronous>, transform_indices = @transform_5, window_bounds = array<i64: 4, 64>}, {pipeline_mode = #tpu.pipeline_mode<synchronous>, transform_indices = @transform_6, window_bounds = array<i64: 1, 64>}, {pipeline_mode = #tpu.pipeline_mode<synchronous>, transform_indices = @transform_7, window_bounds = array<i64: 64, 64>}, {pipeline_mode = #tpu.pipeline_mode<synchronous>, transform_indices = @transform_8, window_bounds = array<i64: 1, 64>}, {pipeline_mode = #tpu.pipeline_mode<synchronous>, transform_indices = @transform_9, window_bounds = array<i64: 64, 64>}, {pipeline_mode = #tpu.pipeline_mode<synchronous>, transform_indices = @transform_10, window_bounds = array<i64: 1, 64>}, {pipeline_mode = #tpu.pipeline_mode<synchronous>, transform_indices = @transform_11, window_bounds = array<i64: 64, 64>}, {pipeline_mode = #tpu.pipeline_mode<synchronous>, transform_indices = @transform_12, window_bounds = array<i64: 1, 64>}, {transform_indices = @transform_13, window_bounds = array<i64: 2, 128, 64>}, {transform_indices = @transform_14, window_bounds = array<i64: 128, 16>}]} {
    %get3A = arith.index_cast %arg0 : i32 to index
    %get3A_0 = memref.load %arg1[%get3A] : memref<33xi32, #tpu.memory_space<smem>>
    %add3A = arith.constant 1 : i32
    %add3A_1 = arith.addi %arg0, %add3A : i32
    %get3A_2 = arith.index_cast %add3A_1 : i32 to index
    %get3A_3 = memref.load %arg1[%get3A_2] : memref<33xi32, #tpu.memory_space<smem>>
    %sub3A = arith.subi %get3A_3, %get3A_0 : i32
    %add3A_4 = arith.constant 512 : i32
    %add3A_5 = arith.addi %sub3A, %add3A_4 : i32
    %sub3A_6 = arith.constant 1 : i32
    %sub3A_7 = arith.subi %add3A_5, %sub3A_6 : i32
    %jit3A = arith.constant 512 : i32
    %div3A = arith.divsi %sub3A_7, %jit3A : i32
    %sign3A = arith.constant 0 : i32
    %sign3A_8 = arith.cmpi sgt, %sub3A_7, %sign3A : i32
    %sign3A_9 = arith.extui %sign3A_8 : i1 to i32
    %sign3A_10 = arith.constant 0 : i32
    %sign3A_11 = arith.cmpi slt, %sub3A_7, %sign3A_10 : i32
    %sign3A_12 = arith.extui %sign3A_11 : i1 to i32
    %sign3A_13 = arith.subi %sign3A_9, %sign3A_12 : i32
    %sign3A_14 = arith.constant 0 : i32
    %sign3A_15 = arith.cmpi sgt, %jit3A, %sign3A_14 : i32
    %sign3A_16 = arith.extui %sign3A_15 : i1 to i32
    %sign3A_17 = arith.constant 0 : i32
    %sign3A_18 = arith.cmpi slt, %jit3A, %sign3A_17 : i32
    %sign3A_19 = arith.extui %sign3A_18 : i1 to i32
    %sign3A_20 = arith.subi %sign3A_16, %sign3A_19 : i32
    %ne3A = arith.cmpi ne, %sign3A_13, %sign3A_20 : i32
    %rem3A = arith.remsi %sub3A_7, %jit3A : i32
    %ne3A_21 = arith.constant 0 : i32
    %ne3A_22 = arith.cmpi ne, %rem3A, %ne3A_21 : i32
    %and3A = arith.andi %ne3A, %ne3A_22 : i1
    %sub3A_23 = arith.constant 1 : i32
    %sub3A_24 = arith.subi %div3A, %sub3A_23 : i32
    %select_n3A = arith.select %and3A, %sub3A_24, %div3A : i32
    %iota3A = tpu.iota {dimensions = array<i32: 1>} : vector<512x128xi32>
    %mul3A = arith.constant 128 : i32
    %mul3A_25 = arith.muli %arg0, %mul3A : i32
    %add3A_26 = vector.broadcast %mul3A_25 : i32 to vector<512x128xi32>
    %add3A_27 = arith.addi %iota3A, %add3A_26 : vector<512x128xi32>
    %broadcast_in_dim3A = arith.constant 0.000000e+00 : f32
    %broadcast_in_dim3A_28 = vector.broadcast %broadcast_in_dim3A : f32 to vector<128x8xf32>
    %swap3A = arith.constant 0 : index
    %swap3A_29 = arith.constant 0 : index
    %swap3A_30 = vector.load %arg21[%swap3A, %swap3A_29] : memref<128x8xf32, #tpu.memory_space<vmem>>, vector<128x8xf32>
    tpu.vector_store %arg21[%swap3A, %swap3A_29], %broadcast_in_dim3A_28 {strides = array<i32>} : memref<128x8xf32, #tpu.memory_space<vmem>>, vector<128x8xf32>,
    %broadcast_in_dim3A_31 = arith.constant -1.000000e+30 : f32
    %broadcast_in_dim3A_32 = vector.broadcast %broadcast_in_dim3A_31 : f32 to vector<8x128xf32>
    %swap3A_33 = arith.constant 0 : index
    %swap3A_34 = arith.constant 0 : index
    %swap3A_35 = vector.load %arg22[%swap3A_33, %swap3A_34] : memref<8x128xf32, #tpu.memory_space<vmem>>, vector<8x128xf32>
    tpu.vector_store %arg22[%swap3A_33, %swap3A_34], %broadcast_in_dim3A_32 {strides = array<i32>} : memref<8x128xf32, #tpu.memory_space<vmem>>, vector<8x128xf32>,
    %broadcast_in_dim3A_36 = arith.constant 0.000000e+00 : f32
    %broadcast_in_dim3A_37 = vector.broadcast %broadcast_in_dim3A_36 : f32 to vector<128x64xf32>
    %swap3A_38 = arith.constant 0 : index
    %swap3A_39 = arith.constant 0 : index
    %swap3A_40 = vector.load %arg23[%swap3A_38, %swap3A_39] : memref<128x64xf32, #tpu.memory_space<vmem>>, vector<128x64xf32>
    tpu.vector_store %arg23[%swap3A_38, %swap3A_39], %broadcast_in_dim3A_37 {strides = array<i32>} : memref<128x64xf32, #tpu.memory_space<vmem>>, vector<128x64xf32>,
    %broadcast_in_dim3A_41 = arith.constant 0.000000e+00 : f32
    %broadcast_in_dim3A_42 = vector.broadcast %broadcast_in_dim3A_41 : f32 to vector<128x64xf32>
    %swap3A_43 = arith.constant 0 : index
    %swap3A_44 = arith.constant 0 : index
    %swap3A_45 = vector.load %arg24[%swap3A_43, %swap3A_44] : memref<128x64xf32, #tpu.memory_space<vmem>>, vector<128x64xf32>
    tpu.vector_store %arg24[%swap3A_43, %swap3A_44], %broadcast_in_dim3A_42 {strides = array<i32>} : memref<128x64xf32, #tpu.memory_space<vmem>>, vector<128x64xf32>,
    %broadcast_in_dim3A_46 = arith.constant 0.000000e+00 : f32
    %broadcast_in_dim3A_47 = vector.broadcast %broadcast_in_dim3A_46 : f32 to vector<128x8xf32>
    %swap3A_48 = arith.constant 0 : index
    %swap3A_49 = arith.constant 0 : index
    %swap3A_50 = vector.load %arg25[%swap3A_48, %swap3A_49] : memref<128x8xf32, #tpu.memory_space<vmem>>, vector<128x8xf32>
    tpu.vector_store %arg25[%swap3A_48, %swap3A_49], %broadcast_in_dim3A_47 {strides = array<i32>} : memref<128x8xf32, #tpu.memory_space<vmem>>, vector<128x8xf32>,
    %gt3A = arith.constant 0 : i32
    %gt3A_51 = arith.cmpi sgt, %select_n3A, %gt3A : i32
    %convert_element_type3A = arith.extui %gt3A_51 : i1 to i32
    %cond3A = arith.constant 0 : i32
    %cond3A_52 = arith.cmpi ne, %convert_element_type3A, %cond3A : i32
    scf.if %cond3A_52 {
      %add3A_139 = arith.constant 0 : i32
      %add3A_140 = arith.addi %get3A_0, %add3A_139 : i32
      %rem3A_141 = arith.constant 0 : i32
      %rem3A_142 = arith.constant 2 : i32
      %rem3A_143 = arith.remsi %rem3A_141, %rem3A_142 : i32
      %dma_start3A = tpu.memref_slice %arg19[%rem3A_143] : memref<2x!tpu.dma_semaphore, #tpu.memory_space<semaphore_mem>> -> memref<1x!tpu.dma_semaphore, #tpu.memory_space<semaphore_mem>>
      %dma_start3A_144 = tpu.memref_squeeze %dma_start3A : memref<1x!tpu.dma_semaphore, #tpu.memory_space<semaphore_mem>> -> memref<!tpu.dma_semaphore, #tpu.memory_space<semaphore_mem>>
      %dma_start3A_145 = arith.constant 0 : i32
      %dma_start3A_146 = arith.constant 0 : i32
      %dma_start3A_147 = tpu.memref_slice %arg17[%rem3A_143, %dma_start3A_145, %dma_start3A_146] : memref<2x512x128xf32, #tpu.memory_space<vmem>> -> memref<1x512x128xf32, #tpu.memory_space<vmem>>
      %dma_start3A_148 = tpu.memref_squeeze %dma_start3A_147 : memref<1x512x128xf32, #tpu.memory_space<vmem>> -> memref<512x128xf32, #tpu.memory_space<vmem>>
      %dma_start3A_149 = arith.constant 0 : i32
      %dma_start3A_150 = tpu.memref_slice %arg2[%add3A_140, %dma_start3A_149] : memref<253952x128xf32, #tpu.memory_space<any>> -> memref<512x128xf32, #tpu.memory_space<any>>
      tpu.enqueue_dma source(%dma_start3A_150 : memref<512x128xf32, #tpu.memory_space<any>>) target(%dma_start3A_148 : memref<512x128xf32, #tpu.memory_space<vmem>>) target_semaphore(%dma_start3A_144 : memref<!tpu.dma_semaphore, #tpu.memory_space<semaphore_mem>>)
      %dma_start3A_151 = tpu.memref_slice %arg20[%rem3A_143] : memref<2x!tpu.dma_semaphore, #tpu.memory_space<semaphore_mem>> -> memref<1x!tpu.dma_semaphore, #tpu.memory_space<semaphore_mem>>
      %dma_start3A_152 = tpu.memref_squeeze %dma_start3A_151 : memref<1x!tpu.dma_semaphore, #tpu.memory_space<semaphore_mem>> -> memref<!tpu.dma_semaphore, #tpu.memory_space<semaphore_mem>>
      %dma_start3A_153 = arith.constant 0 : i32
      %dma_start3A_154 = arith.constant 0 : i32
      %dma_start3A_155 = tpu.memref_slice %arg18[%rem3A_143, %dma_start3A_153, %dma_start3A_154] : memref<2x512x1xi32, #tpu.memory_space<vmem>> -> memref<1x512x1xi32, #tpu.memory_space<vmem>>
      %dma_start3A_156 = tpu.memref_squeeze %dma_start3A_155 : memref<1x512x1xi32, #tpu.memory_space<vmem>> -> memref<512x1xi32, #tpu.memory_space<vmem>>
      %dma_start3A_157 = arith.constant 0 : i32
      %dma_start3A_158 = tpu.memref_slice %arg3[%add3A_140, %dma_start3A_157] : memref<253952x1xi32, #tpu.memory_space<any>> -> memref<512x1xi32, #tpu.memory_space<any>>
      tpu.enqueue_dma source(%dma_start3A_158 : memref<512x1xi32, #tpu.memory_space<any>>) target(%dma_start3A_156 : memref<512x1xi32, #tpu.memory_space<vmem>>) target_semaphore(%dma_start3A_152 : memref<!tpu.dma_semaphore, #tpu.memory_space<semaphore_mem>>)
    } else {
    }
    %while3A = arith.constant 0 : i32
    %while3A_53 = arith.constant 0 : i32
    %while3A_54 = arith.subi %select_n3A, %while3A_53 : i32
    %while3A_55 = arith.addi %while3A_53, %while3A_54 : i32
    %while3A_56 = arith.constant 1 : i32
    %while3A_57 = arith.divsi %while3A_54, %while3A_56 : i32
    %while3A_58 = arith.muli %while3A_57, %while3A_56 : i32
    %while3A_59 = arith.addi %while3A_53, %while3A_58 : i32
    %while3A_60 = arith.constant 1 : i32
    scf.for %while3A_139 = %while3A_53 to %while3A_59 step %while3A_60  : i32 {
      %add3A_140 = arith.constant 1 : i32
      %add3A_141 = arith.addi %while3A_139, %add3A_140 : i32
      %lt3A = arith.cmpi slt, %add3A_141, %select_n3A : i32
      %convert_element_type3A_142 = arith.extui %lt3A : i1 to i32
      %cond3A_143 = arith.constant 0 : i32
      %cond3A_144 = arith.cmpi ne, %convert_element_type3A_142, %cond3A_143 : i32
      scf.if %cond3A_144 {
        %add3A_482 = arith.constant 1 : i32
        %add3A_483 = arith.addi %while3A_139, %add3A_482 : i32
        %mul3A_484 = arith.constant 512 : i32
        %mul3A_485 = arith.muli %add3A_483, %mul3A_484 : i32
        %add3A_486 = arith.addi %get3A_0, %mul3A_485 : i32
        %rem3A_487 = arith.constant 2 : i32
        %rem3A_488 = arith.remsi %add3A_483, %rem3A_487 : i32
        %dma_start3A = tpu.memref_slice %arg19[%rem3A_488] : memref<2x!tpu.dma_semaphore, #tpu.memory_space<semaphore_mem>> -> memref<1x!tpu.dma_semaphore, #tpu.memory_space<semaphore_mem>>
        %dma_start3A_489 = tpu.memref_squeeze %dma_start3A : memref<1x!tpu.dma_semaphore, #tpu.memory_space<semaphore_mem>> -> memref<!tpu.dma_semaphore, #tpu.memory_space<semaphore_mem>>
        %dma_start3A_490 = arith.constant 0 : i32
        %dma_start3A_491 = arith.constant 0 : i32
        %dma_start3A_492 = tpu.memref_slice %arg17[%rem3A_488, %dma_start3A_490, %dma_start3A_491] : memref<2x512x128xf32, #tpu.memory_space<vmem>> -> memref<1x512x128xf32, #tpu.memory_space<vmem>>
        %dma_start3A_493 = tpu.memref_squeeze %dma_start3A_492 : memref<1x512x128xf32, #tpu.memory_space<vmem>> -> memref<512x128xf32, #tpu.memory_space<vmem>>
        %dma_start3A_494 = arith.constant 0 : i32
        %dma_start3A_495 = tpu.memref_slice %arg2[%add3A_486, %dma_start3A_494] : memref<253952x128xf32, #tpu.memory_space<any>> -> memref<512x128xf32, #tpu.memory_space<any>>
        tpu.enqueue_dma source(%dma_start3A_495 : memref<512x128xf32, #tpu.memory_space<any>>) target(%dma_start3A_493 : memref<512x128xf32, #tpu.memory_space<vmem>>) target_semaphore(%dma_start3A_489 : memref<!tpu.dma_semaphore, #tpu.memory_space<semaphore_mem>>)
        %dma_start3A_496 = tpu.memref_slice %arg20[%rem3A_488] : memref<2x!tpu.dma_semaphore, #tpu.memory_space<semaphore_mem>> -> memref<1x!tpu.dma_semaphore, #tpu.memory_space<semaphore_mem>>
        %dma_start3A_497 = tpu.memref_squeeze %dma_start3A_496 : memref<1x!tpu.dma_semaphore, #tpu.memory_space<semaphore_mem>> -> memref<!tpu.dma_semaphore, #tpu.memory_space<semaphore_mem>>
        %dma_start3A_498 = arith.constant 0 : i32
        %dma_start3A_499 = arith.constant 0 : i32
        %dma_start3A_500 = tpu.memref_slice %arg18[%rem3A_488, %dma_start3A_498, %dma_start3A_499] : memref<2x512x1xi32, #tpu.memory_space<vmem>> -> memref<1x512x1xi32, #tpu.memory_space<vmem>>
        %dma_start3A_501 = tpu.memref_squeeze %dma_start3A_500 : memref<1x512x1xi32, #tpu.memory_space<vmem>> -> memref<512x1xi32, #tpu.memory_space<vmem>>
        %dma_start3A_502 = arith.constant 0 : i32
        %dma_start3A_503 = tpu.memref_slice %arg3[%add3A_486, %dma_start3A_502] : memref<253952x1xi32, #tpu.memory_space<any>> -> memref<512x1xi32, #tpu.memory_space<any>>
        tpu.enqueue_dma source(%dma_start3A_503 : memref<512x1xi32, #tpu.memory_space<any>>) target(%dma_start3A_501 : memref<512x1xi32, #tpu.memory_space<vmem>>) target_semaphore(%dma_start3A_497 : memref<!tpu.dma_semaphore, #tpu.memory_space<semaphore_mem>>)
      } else {
      }
      %mul3A_145 = arith.constant 512 : i32
      %mul3A_146 = arith.muli %while3A_139, %mul3A_145 : i32
      %add3A_147 = arith.addi %get3A_0, %mul3A_146 : i32
      %rem3A_148 = arith.constant 2 : i32
      %rem3A_149 = arith.remsi %while3A_139, %rem3A_148 : i32
      %dma_wait3A = tpu.memref_slice %arg19[%rem3A_149] : memref<2x!tpu.dma_semaphore, #tpu.memory_space<semaphore_mem>> -> memref<1x!tpu.dma_semaphore, #tpu.memory_space<semaphore_mem>>
      %dma_wait3A_150 = tpu.memref_squeeze %dma_wait3A : memref<1x!tpu.dma_semaphore, #tpu.memory_space<semaphore_mem>> -> memref<!tpu.dma_semaphore, #tpu.memory_space<semaphore_mem>>
      %dma_wait3A_151 = arith.constant 0 : i32
      %dma_wait3A_152 = arith.constant 0 : i32
      %dma_wait3A_153 = tpu.memref_slice %arg17[%rem3A_149, %dma_wait3A_151, %dma_wait3A_152] : memref<2x512x128xf32, #tpu.memory_space<vmem>> -> memref<1x512x128xf32, #tpu.memory_space<vmem>>
      %dma_wait3A_154 = tpu.memref_squeeze %dma_wait3A_153 : memref<1x512x128xf32, #tpu.memory_space<vmem>> -> memref<512x128xf32, #tpu.memory_space<vmem>>
      %dma_wait3A_155 = arith.constant 0 : i32
      %dma_wait3A_156 = tpu.memref_slice %arg2[%add3A_147, %dma_wait3A_155] : memref<253952x128xf32, #tpu.memory_space<any>> -> memref<512x128xf32, #tpu.memory_space<any>>
      tpu.wait_dma2 semaphore(%dma_wait3A_150 : memref<!tpu.dma_semaphore, #tpu.memory_space<semaphore_mem>>) src(%dma_wait3A_156 : memref<512x128xf32, #tpu.memory_space<any>>) dst(%dma_wait3A_154 : memref<512x128xf32, #tpu.memory_space<vmem>>)
      %dma_wait3A_157 = tpu.memref_slice %arg20[%rem3A_149] : memref<2x!tpu.dma_semaphore, #tpu.memory_space<semaphore_mem>> -> memref<1x!tpu.dma_semaphore, #tpu.memory_space<semaphore_mem>>
      %dma_wait3A_158 = tpu.memref_squeeze %dma_wait3A_157 : memref<1x!tpu.dma_semaphore, #tpu.memory_space<semaphore_mem>> -> memref<!tpu.dma_semaphore, #tpu.memory_space<semaphore_mem>>
      %dma_wait3A_159 = arith.constant 0 : i32
      %dma_wait3A_160 = arith.constant 0 : i32
      %dma_wait3A_161 = tpu.memref_slice %arg18[%rem3A_149, %dma_wait3A_159, %dma_wait3A_160] : memref<2x512x1xi32, #tpu.memory_space<vmem>> -> memref<1x512x1xi32, #tpu.memory_space<vmem>>
      %dma_wait3A_162 = tpu.memref_squeeze %dma_wait3A_161 : memref<1x512x1xi32, #tpu.memory_space<vmem>> -> memref<512x1xi32, #tpu.memory_space<vmem>>
      %dma_wait3A_163 = arith.constant 0 : i32
      %dma_wait3A_164 = tpu.memref_slice %arg3[%add3A_147, %dma_wait3A_163] : memref<253952x1xi32, #tpu.memory_space<any>> -> memref<512x1xi32, #tpu.memory_space<any>>
      tpu.wait_dma2 semaphore(%dma_wait3A_158 : memref<!tpu.dma_semaphore, #tpu.memory_space<semaphore_mem>>) src(%dma_wait3A_164 : memref<512x1xi32, #tpu.memory_space<any>>) dst(%dma_wait3A_162 : memref<512x1xi32, #tpu.memory_space<vmem>>)
      %rem3A_165 = arith.constant 2 : i32
      %rem3A_166 = arith.remsi %while3A_139, %rem3A_165 : i32
      %get3A_167 = arith.index_cast %rem3A_166 : i32 to index
      %get3A_168 = arith.constant 0 : index
      %get3A_169 = arith.constant 0 : index
      %get3A_170 = vector.load %arg18[%get3A_167, %get3A_168, %get3A_169] : memref<2x512x1xi32, #tpu.memory_space<vmem>>, vector<1x512x1xi32>
      %squeeze3A = vector.shape_cast %get3A_170 : vector<1x512x1xi32> to vector<512x1xi32>
      %get3A_171 = arith.index_cast %rem3A_166 : i32 to index
      %get3A_172 = arith.constant 0 : index
      %get3A_173 = arith.constant 0 : index
      %get3A_174 = vector.load %arg17[%get3A_171, %get3A_172, %get3A_173] : memref<2x512x128xf32, #tpu.memory_space<vmem>>, vector<1x512x128xf32>
      %squeeze3A_175 = vector.shape_cast %get3A_174 : vector<1x512x128xf32> to vector<512x128xf32>
      %slice3A = vector.extract_strided_slice %squeeze3A_175 {offsets = [0, 0], sizes = [512, 2], strides = [1, 1]} : vector<512x128xf32> to vector<512x2xf32>
      %eq3A = vector.broadcast %squeeze3A : vector<512x1xi32> to vector<512x128xi32>
      %eq3A_176 = arith.cmpi eq, %eq3A, %add3A_27 : vector<512x128xi32>
      %convert_element_type3A_177 = arith.extui %eq3A_176 : vector<512x128xi1> to vector<512x128xi32>
      %convert_element_type3A_178 = arith.sitofp %convert_element_type3A_177 : vector<512x128xi32> to vector<512x128xf32>
      %get3A_179 = arith.constant 0 : index
      %get3A_180 = arith.constant 0 : index
      %get3A_181 = vector.load %arg4[%get3A_179, %get3A_180] : memref<128x8xf32, #tpu.memory_space<vmem>>, vector<128x8xf32>
      %dot_general3A = arith.constant dense<0.000000e+00> : vector<512x8xf32>
      %dot_general3A_182 = tpu.matmul %convert_element_type3A_178, %get3A_181, %dot_general3A {dimension_numbers = #tpu.dot_dimension_numbers<[1], [0], [0], [1], [0, 0, 1, 1], [], []>, transpose_lhs_hint = false} : vector<512x128xf32>, vector<128x8xf32>, vector<512x8xf32> -> vector<512x8xf32>
      %slice3A_183 = vector.extract_strided_slice %dot_general3A_182 {offsets = [0, 0], sizes = [512, 2], strides = [1, 1]} : vector<512x8xf32> to vector<512x2xf32>
      %mul3A_184 = arith.mulf %slice3A, %slice3A : vector<512x2xf32>
      %reduce_sum3A = arith.constant dense<0.000000e+00> : vector<512xf32>
      %reduce_sum3A_185 = vector.multi_reduction <add>, %mul3A_184, %reduce_sum3A [1] : vector<512x2xf32> to vector<512xf32>
      %broadcast_in_dim3A_186 = vector.shape_cast %reduce_sum3A_185 : vector<512xf32> to vector<512x1xf32>
      %sqrt3A_187 = math.sqrt %broadcast_in_dim3A_186 : vector<512x1xf32>
      %mul3A_188 = arith.mulf %slice3A_183, %slice3A_183 : vector<512x2xf32>
      %reduce_sum3A_189 = arith.constant dense<0.000000e+00> : vector<512xf32>
      %reduce_sum3A_190 = vector.multi_reduction <add>, %mul3A_188, %reduce_sum3A_189 [1] : vector<512x2xf32> to vector<512xf32>
      %broadcast_in_dim3A_191 = vector.shape_cast %reduce_sum3A_190 : vector<512xf32> to vector<512x1xf32>
      %sqrt3A_192 = math.sqrt %broadcast_in_dim3A_191 : vector<512x1xf32>
      %mul3A_193 = arith.mulf %slice3A, %slice3A_183 : vector<512x2xf32>
      %reduce_sum3A_194 = arith.constant dense<0.000000e+00> : vector<512xf32>
      %reduce_sum3A_195 = vector.multi_reduction <add>, %mul3A_193, %reduce_sum3A_194 [1] : vector<512x2xf32> to vector<512xf32>
      %broadcast_in_dim3A_196 = vector.shape_cast %reduce_sum3A_195 : vector<512xf32> to vector<512x1xf32>
      %mul3A_197 = arith.mulf %sqrt3A_187, %sqrt3A_192 : vector<512x1xf32>
      %add3A_198 = arith.constant 9.99999993E-9 : f32
      %add3A_199 = vector.broadcast %add3A_198 : f32 to vector<512x1xf32>
      %add3A_200 = arith.addf %mul3A_197, %add3A_199 : vector<512x1xf32>
      %div3A_201 = arith.divf %broadcast_in_dim3A_196, %add3A_200 : vector<512x1xf32>
      %gt3A_202 = arith.constant 0.000000e+00 : f32
      %gt3A_203 = vector.broadcast %gt3A_202 : f32 to vector<512x128xf32>
      %gt3A_204 = arith.cmpf ogt, %convert_element_type3A_178, %gt3A_203 : vector<512x128xf32>
      %sub3A_205 = arith.subf %slice3A, %slice3A_183 : vector<512x2xf32>
      %mul3A_206 = arith.mulf %sub3A_205, %sub3A_205 : vector<512x2xf32>
      %broadcast_in_dim3A_207 = arith.constant 1.000000e+00 : f32
      %broadcast_in_dim3A_208 = vector.broadcast %broadcast_in_dim3A_207 : f32 to vector<512x1xf32>
      %broadcast_in_dim3A_209 = arith.constant 0.000000e+00 : f32
      %broadcast_in_dim3A_210 = vector.broadcast %broadcast_in_dim3A_209 : f32 to vector<512x3xf32>
      %concatenate3A_211 = tpu.concatenate %sub3A_205, %mul3A_206, %broadcast_in_dim3A_208, %broadcast_in_dim3A_210 in 1 : vector<512x2xf32>, vector<512x2xf32>, vector<512x1xf32>, vector<512x3xf32> -> vector<512x8xf32>
      %get3A_212 = arith.constant 0 : index
      %get3A_213 = arith.constant 0 : index
      %get3A_214 = vector.load %arg21[%get3A_212, %get3A_213] : memref<128x8xf32, #tpu.memory_space<vmem>>, vector<128x8xf32>
      %dot_general3A_215 = arith.constant dense<0.000000e+00> : vector<128x8xf32>
      %dot_general3A_216 = tpu.matmul %convert_element_type3A_178, %concatenate3A_211, %dot_general3A_215 {dimension_numbers = #tpu.dot_dimension_numbers<[0], [0], [1], [1], [0, 1, 1, 1], [], []>, transpose_lhs_hint = false} : vector<512x128xf32>, vector<512x8xf32>, vector<128x8xf32> -> vector<128x8xf32>
      %add3A_217 = arith.addf %get3A_214, %dot_general3A_216 : vector<128x8xf32>
      %swap3A_218 = arith.constant 0 : index
      %swap3A_219 = arith.constant 0 : index
      %swap3A_220 = vector.load %arg21[%swap3A_218, %swap3A_219] : memref<128x8xf32, #tpu.memory_space<vmem>>, vector<128x8xf32>
      tpu.vector_store %arg21[%swap3A_218, %swap3A_219], %add3A_217 {strides = array<i32>} : memref<128x8xf32, #tpu.memory_space<vmem>>, vector<128x8xf32>,
      %slice3A_221 = vector.extract_strided_slice %sub3A_205 {offsets = [0, 0], sizes = [512, 1], strides = [1, 1]} : vector<512x2xf32> to vector<512x1xf32>
      %slice3A_222 = vector.extract_strided_slice %sub3A_205 {offsets = [0, 1], sizes = [512, 1], strides = [1, 1]} : vector<512x2xf32> to vector<512x1xf32>
      %slice3A_223 = vector.extract_strided_slice %sub3A_205 {offsets = [0, 0], sizes = [512, 1], strides = [1, 1]} : vector<512x2xf32> to vector<512x1xf32>
      %neg3A_224 = arith.constant 0.000000e+00 : f32
      %neg3A_225 = vector.broadcast %neg3A_224 : f32 to vector<512x1xf32>
      %neg3A_226 = arith.subf %neg3A_225, %slice3A_223 : vector<512x1xf32>
      %slice3A_227 = vector.extract_strided_slice %sub3A_205 {offsets = [0, 1], sizes = [512, 1], strides = [1, 1]} : vector<512x2xf32> to vector<512x1xf32>
      %neg3A_228 = arith.constant 0.000000e+00 : f32
      %neg3A_229 = vector.broadcast %neg3A_228 : f32 to vector<512x1xf32>
      %neg3A_230 = arith.subf %neg3A_229, %slice3A_227 : vector<512x1xf32>
      %concatenate3A_231 = tpu.concatenate %slice3A_221, %slice3A_222, %neg3A_226, %neg3A_230 in 1 : vector<512x1xf32>, vector<512x1xf32>, vector<512x1xf32>, vector<512x1xf32> -> vector<512x4xf32>
      %get3A_232 = arith.constant 1 : index
      %get3A_233 = arith.constant 0 : index
      %get3A_234 = vector.load %arg22[%get3A_232, %get3A_233] : memref<8x128xf32, #tpu.memory_space<vmem>>, vector<1x128xf32>
      %slice3A_235 = vector.extract_strided_slice %concatenate3A_231 {offsets = [0, 0], sizes = [512, 1], strides = [1, 1]} : vector<512x4xf32> to vector<512x1xf32>
      %jit3A_236 = arith.constant -1.000000e+30 : f32
      %broadcast_in_dim3A_237 = vector.shape_cast %slice3A_235 : vector<512x1xf32> to vector<512x1xf32>
      %broadcast_in_dim3A_238 = vector.broadcast %broadcast_in_dim3A_237 : vector<512x1xf32> to vector<512x128xf32>
      %broadcast_in_dim3A_239 = vector.broadcast %jit3A_236 : f32 to vector<512x128xf32>
      %select_n3A_240 = arith.select %gt3A_204, %broadcast_in_dim3A_238, %broadcast_in_dim3A_239 : vector<512x128xi1>, vector<512x128xf32>
      %reduce_max3A = arith.constant dense<0xFF800000> : vector<128xf32>
      %reduce_max3A_241 = vector.multi_reduction <maximumf>, %select_n3A_240, %reduce_max3A [0] : vector<512x128xf32> to vector<128xf32>
      %broadcast_in_dim3A_242 = vector.shape_cast %reduce_max3A_241 : vector<128xf32> to vector<1x128xf32>
      %max3A_243 = arith.maximumf %get3A_234, %broadcast_in_dim3A_242 : vector<1x128xf32>
      %swap3A_244 = arith.constant 1 : index
      %swap3A_245 = arith.constant 0 : index
      %swap3A_246 = vector.load %arg22[%swap3A_244, %swap3A_245] : memref<8x128xf32, #tpu.memory_space<vmem>>, vector<1x128xf32>
      tpu.vector_store %arg22[%swap3A_244, %swap3A_245], %max3A_243 {strides = array<i32>} : memref<8x128xf32, #tpu.memory_space<vmem>>, vector<1x128xf32>,
      %get3A_247 = arith.constant 2 : index
      %get3A_248 = arith.constant 0 : index
      %get3A_249 = vector.load %arg22[%get3A_247, %get3A_248] : memref<8x128xf32, #tpu.memory_space<vmem>>, vector<1x128xf32>
      %slice3A_250 = vector.extract_strided_slice %concatenate3A_231 {offsets = [0, 1], sizes = [512, 1], strides = [1, 1]} : vector<512x4xf32> to vector<512x1xf32>
      %jit3A_251 = arith.constant -1.000000e+30 : f32
      %broadcast_in_dim3A_252 = vector.shape_cast %slice3A_250 : vector<512x1xf32> to vector<512x1xf32>
      %broadcast_in_dim3A_253 = vector.broadcast %broadcast_in_dim3A_252 : vector<512x1xf32> to vector<512x128xf32>
      %broadcast_in_dim3A_254 = vector.broadcast %jit3A_251 : f32 to vector<512x128xf32>
      %select_n3A_255 = arith.select %gt3A_204, %broadcast_in_dim3A_253, %broadcast_in_dim3A_254 : vector<512x128xi1>, vector<512x128xf32>
      %reduce_max3A_256 = arith.constant dense<0xFF800000> : vector<128xf32>
      %reduce_max3A_257 = vector.multi_reduction <maximumf>, %select_n3A_255, %reduce_max3A_256 [0] : vector<512x128xf32> to vector<128xf32>
      %broadcast_in_dim3A_258 = vector.shape_cast %reduce_max3A_257 : vector<128xf32> to vector<1x128xf32>
      %max3A_259 = arith.maximumf %get3A_249, %broadcast_in_dim3A_258 : vector<1x128xf32>
      %swap3A_260 = arith.constant 2 : index
      %swap3A_261 = arith.constant 0 : index
      %swap3A_262 = vector.load %arg22[%swap3A_260, %swap3A_261] : memref<8x128xf32, #tpu.memory_space<vmem>>, vector<1x128xf32>
      tpu.vector_store %arg22[%swap3A_260, %swap3A_261], %max3A_259 {strides = array<i32>} : memref<8x128xf32, #tpu.memory_space<vmem>>, vector<1x128xf32>,
      %get3A_263 = arith.constant 3 : index
      %get3A_264 = arith.constant 0 : index
      %get3A_265 = vector.load %arg22[%get3A_263, %get3A_264] : memref<8x128xf32, #tpu.memory_space<vmem>>, vector<1x128xf32>
      %slice3A_266 = vector.extract_strided_slice %concatenate3A_231 {offsets = [0, 2], sizes = [512, 1], strides = [1, 1]} : vector<512x4xf32> to vector<512x1xf32>
      %jit3A_267 = arith.constant -1.000000e+30 : f32
      %broadcast_in_dim3A_268 = vector.shape_cast %slice3A_266 : vector<512x1xf32> to vector<512x1xf32>
      %broadcast_in_dim3A_269 = vector.broadcast %broadcast_in_dim3A_268 : vector<512x1xf32> to vector<512x128xf32>
      %broadcast_in_dim3A_270 = vector.broadcast %jit3A_267 : f32 to vector<512x128xf32>
      %select_n3A_271 = arith.select %gt3A_204, %broadcast_in_dim3A_269, %broadcast_in_dim3A_270 : vector<512x128xi1>, vector<512x128xf32>
      %reduce_max3A_272 = arith.constant dense<0xFF800000> : vector<128xf32>
      %reduce_max3A_273 = vector.multi_reduction <maximumf>, %select_n3A_271, %reduce_max3A_272 [0] : vector<512x128xf32> to vector<128xf32>
      %broadcast_in_dim3A_274 = vector.shape_cast %reduce_max3A_273 : vector<128xf32> to vector<1x128xf32>
      %max3A_275 = arith.maximumf %get3A_265, %broadcast_in_dim3A_274 : vector<1x128xf32>
      %swap3A_276 = arith.constant 3 : index
      %swap3A_277 = arith.constant 0 : index
      %swap3A_278 = vector.load %arg22[%swap3A_276, %swap3A_277] : memref<8x128xf32, #tpu.memory_space<vmem>>, vector<1x128xf32>
      tpu.vector_store %arg22[%swap3A_276, %swap3A_277], %max3A_275 {strides = array<i32>} : memref<8x128xf32, #tpu.memory_space<vmem>>, vector<1x128xf32>,
      %get3A_279 = arith.constant 4 : index
      %get3A_280 = arith.constant 0 : index
      %get3A_281 = vector.load %arg22[%get3A_279, %get3A_280] : memref<8x128xf32, #tpu.memory_space<vmem>>, vector<1x128xf32>
      %slice3A_282 = vector.extract_strided_slice %concatenate3A_231 {offsets = [0, 3], sizes = [512, 1], strides = [1, 1]} : vector<512x4xf32> to vector<512x1xf32>
      %jit3A_283 = arith.constant -1.000000e+30 : f32
      %broadcast_in_dim3A_284 = vector.shape_cast %slice3A_282 : vector<512x1xf32> to vector<512x1xf32>
      %broadcast_in_dim3A_285 = vector.broadcast %broadcast_in_dim3A_284 : vector<512x1xf32> to vector<512x128xf32>
      %broadcast_in_dim3A_286 = vector.broadcast %jit3A_283 : f32 to vector<512x128xf32>
      %select_n3A_287 = arith.select %gt3A_204, %broadcast_in_dim3A_285, %broadcast_in_dim3A_286 : vector<512x128xi1>, vector<512x128xf32>
      %reduce_max3A_288 = arith.constant dense<0xFF800000> : vector<128xf32>
      %reduce_max3A_289 = vector.multi_reduction <maximumf>, %select_n3A_287, %reduce_max3A_288 [0] : vector<512x128xf32> to vector<128xf32>
      %broadcast_in_dim3A_290 = vector.shape_cast %reduce_max3A_289 : vector<128xf32> to vector<1x128xf32>
      %max3A_291 = arith.maximumf %get3A_281, %broadcast_in_dim3A_290 : vector<1x128xf32>
      %swap3A_292 = arith.constant 4 : index
      %swap3A_293 = arith.constant 0 : index
      %swap3A_294 = vector.load %arg22[%swap3A_292, %swap3A_293] : memref<8x128xf32, #tpu.memory_space<vmem>>, vector<1x128xf32>
      tpu.vector_store %arg22[%swap3A_292, %swap3A_293], %max3A_291 {strides = array<i32>} : memref<8x128xf32, #tpu.memory_space<vmem>>, vector<1x128xf32>,
      %jit3A_295 = arith.constant -1.000000e+30 : f32
      %broadcast_in_dim3A_296 = vector.shape_cast %div3A_201 : vector<512x1xf32> to vector<512x1xf32>
      %broadcast_in_dim3A_297 = vector.broadcast %broadcast_in_dim3A_296 : vector<512x1xf32> to vector<512x128xf32>
      %broadcast_in_dim3A_298 = vector.broadcast %jit3A_295 : f32 to vector<512x128xf32>
      %select_n3A_299 = arith.select %gt3A_204, %broadcast_in_dim3A_297, %broadcast_in_dim3A_298 : vector<512x128xi1>, vector<512x128xf32>
      %reduce_max3A_300 = arith.constant dense<0xFF800000> : vector<128xf32>
      %reduce_max3A_301 = vector.multi_reduction <maximumf>, %select_n3A_299, %reduce_max3A_300 [0] : vector<512x128xf32> to vector<128xf32>
      %broadcast_in_dim3A_302 = vector.shape_cast %reduce_max3A_301 : vector<128xf32> to vector<1x128xf32>
      %get3A_303 = arith.constant 0 : index
      %get3A_304 = arith.constant 0 : index
      %get3A_305 = vector.load %arg22[%get3A_303, %get3A_304] : memref<8x128xf32, #tpu.memory_space<vmem>>, vector<1x128xf32>
      %max3A_306 = arith.maximumf %get3A_305, %broadcast_in_dim3A_302 : vector<1x128xf32>
      %swap3A_307 = arith.constant 0 : index
      %swap3A_308 = arith.constant 0 : index
      %swap3A_309 = vector.load %arg22[%swap3A_307, %swap3A_308] : memref<8x128xf32, #tpu.memory_space<vmem>>, vector<1x128xf32>
      tpu.vector_store %arg22[%swap3A_307, %swap3A_308], %max3A_306 {strides = array<i32>} : memref<8x128xf32, #tpu.memory_space<vmem>>, vector<1x128xf32>,
      %gt3A_310 = arith.constant -5.000000e+29 : f32
      %gt3A_311 = vector.broadcast %gt3A_310 : f32 to vector<1x128xf32>
      %gt3A_312 = arith.cmpf ogt, %max3A_306, %gt3A_311 : vector<1x128xf32>
      %jit3A_313 = arith.constant 0.000000e+00 : f32
      %broadcast_in_dim3A_314 = vector.broadcast %jit3A_313 : f32 to vector<1x128xf32>
      %select_n3A_315 = arith.select %gt3A_312, %max3A_306, %broadcast_in_dim3A_314 : vector<1x128xi1>, vector<1x128xf32>
      %jit3A_316 = arith.constant 0.000000e+00 : f32
      %broadcast_in_dim3A_317 = vector.shape_cast %select_n3A_315 : vector<1x128xf32> to vector<1x128xf32>
      %broadcast_in_dim3A_318 = vector.broadcast %broadcast_in_dim3A_317 : vector<1x128xf32> to vector<512x128xf32>
      %broadcast_in_dim3A_319 = vector.broadcast %jit3A_316 : f32 to vector<512x128xf32>
      %select_n3A_320 = arith.select %gt3A_204, %broadcast_in_dim3A_318, %broadcast_in_dim3A_319 : vector<512x128xi1>, vector<512x128xf32>
      %reduce_max3A_321 = arith.constant dense<0xFF800000> : vector<512xf32>
      %reduce_max3A_322 = vector.multi_reduction <maximumf>, %select_n3A_320, %reduce_max3A_321 [1] : vector<512x128xf32> to vector<512xf32>
      %broadcast_in_dim3A_323 = vector.shape_cast %reduce_max3A_322 : vector<512xf32> to vector<512x1xf32>
      %sub3A_324 = arith.subf %div3A_201, %broadcast_in_dim3A_323 : vector<512x1xf32>
      %exp3A = math.exp %sub3A_324 : vector<512x1xf32>
      %sub3A_325 = arith.subf %get3A_305, %max3A_306 : vector<1x128xf32>
      %exp3A_326 = math.exp %sub3A_325 : vector<1x128xf32>
      %transpose3A_327 = tpu.transpose %exp3A_326, [1, 0] : vector<1x128xf32> -> vector<128x1xf32>
      %concatenate3A_328 = tpu.concatenate %slice3A, %slice3A_183 in 1 : vector<512x2xf32>, vector<512x2xf32> -> vector<512x4xf32>
      %get3A_329 = arith.constant 0 : index
      %get3A_330 = arith.constant 0 : index
      %get3A_331 = vector.load %arg7[%get3A_329, %get3A_330] : memref<4x64xf32, #tpu.memory_space<vmem>>, vector<4x64xf32>
      %dot_general3A_332 = arith.constant dense<0.000000e+00> : vector<512x64xf32>
      %dot_general3A_333 = tpu.matmul %concatenate3A_328, %get3A_331, %dot_general3A_332 {dimension_numbers = #tpu.dot_dimension_numbers<[1], [0], [0], [1], [0, 0, 1, 1], [], []>, transpose_lhs_hint = false} : vector<512x4xf32>, vector<4x64xf32>, vector<512x64xf32> -> vector<512x64xf32>
      %get3A_334 = arith.constant 0 : index
      %get3A_335 = arith.constant 0 : index
      %get3A_336 = vector.load %arg8[%get3A_334, %get3A_335] : memref<1x64xf32, #tpu.memory_space<vmem>>, vector<1x64xf32>
      %add3A_337 = vector.broadcast %get3A_336 : vector<1x64xf32> to vector<512x64xf32>
      %add3A_338 = arith.addf %dot_general3A_333, %add3A_337 : vector<512x64xf32>
      %integer_pow3A = arith.mulf %add3A_338, %add3A_338 : vector<512x64xf32>
      %integer_pow3A_339 = arith.mulf %add3A_338, %integer_pow3A : vector<512x64xf32>
      %mul3A_340 = arith.constant 4.471500e-02 : f32
      %mul3A_341 = vector.broadcast %mul3A_340 : f32 to vector<512x64xf32>
      %mul3A_342 = arith.mulf %mul3A_341, %integer_pow3A_339 : vector<512x64xf32>
      %add3A_343 = arith.addf %add3A_338, %mul3A_342 : vector<512x64xf32>
      %mul3A_344 = arith.constant 0.797884583 : f32
      %mul3A_345 = vector.broadcast %mul3A_344 : f32 to vector<512x64xf32>
      %mul3A_346 = arith.mulf %mul3A_345, %add3A_343 : vector<512x64xf32>
      %tanh3A = math.tanh %mul3A_346 : vector<512x64xf32>
      %add3A_347 = arith.constant 1.000000e+00 : f32
      %add3A_348 = vector.broadcast %add3A_347 : f32 to vector<512x64xf32>
      %add3A_349 = arith.addf %add3A_348, %tanh3A : vector<512x64xf32>
      %mul3A_350 = arith.constant 5.000000e-01 : f32
      %mul3A_351 = vector.broadcast %mul3A_350 : f32 to vector<512x64xf32>
      %mul3A_352 = arith.mulf %mul3A_351, %add3A_349 : vector<512x64xf32>
      %mul3A_353 = arith.mulf %add3A_338, %mul3A_352 : vector<512x64xf32>
      %get3A_354 = arith.constant 0 : index
      %get3A_355 = arith.constant 0 : index
      %get3A_356 = vector.load %arg9[%get3A_354, %get3A_355] : memref<64x64xf32, #tpu.memory_space<vmem>>, vector<64x64xf32>
      %dot_general3A_357 = arith.constant dense<0.000000e+00> : vector<512x64xf32>
      %dot_general3A_358 = tpu.matmul %mul3A_353, %get3A_356, %dot_general3A_357 {dimension_numbers = #tpu.dot_dimension_numbers<[1], [0], [0], [1], [0, 0, 1, 1], [], []>, transpose_lhs_hint = false} : vector<512x64xf32>, vector<64x64xf32>, vector<512x64xf32> -> vector<512x64xf32>
      %get3A_359 = arith.constant 0 : index
      %get3A_360 = arith.constant 0 : index
      %get3A_361 = vector.load %arg10[%get3A_359, %get3A_360] : memref<1x64xf32, #tpu.memory_space<vmem>>, vector<1x64xf32>
      %add3A_362 = vector.broadcast %get3A_361 : vector<1x64xf32> to vector<512x64xf32>
      %add3A_363 = arith.addf %dot_general3A_358, %add3A_362 : vector<512x64xf32>
      %integer_pow3A_364 = arith.mulf %add3A_363, %add3A_363 : vector<512x64xf32>
      %integer_pow3A_365 = arith.mulf %add3A_363, %integer_pow3A_364 : vector<512x64xf32>
      %mul3A_366 = arith.constant 4.471500e-02 : f32
      %mul3A_367 = vector.broadcast %mul3A_366 : f32 to vector<512x64xf32>
      %mul3A_368 = arith.mulf %mul3A_367, %integer_pow3A_365 : vector<512x64xf32>
      %add3A_369 = arith.addf %add3A_363, %mul3A_368 : vector<512x64xf32>
      %mul3A_370 = arith.constant 0.797884583 : f32
      %mul3A_371 = vector.broadcast %mul3A_370 : f32 to vector<512x64xf32>
      %mul3A_372 = arith.mulf %mul3A_371, %add3A_369 : vector<512x64xf32>
      %tanh3A_373 = math.tanh %mul3A_372 : vector<512x64xf32>
      %add3A_374 = arith.constant 1.000000e+00 : f32
      %add3A_375 = vector.broadcast %add3A_374 : f32 to vector<512x64xf32>
      %add3A_376 = arith.addf %add3A_375, %tanh3A_373 : vector<512x64xf32>
      %mul3A_377 = arith.constant 5.000000e-01 : f32
      %mul3A_378 = vector.broadcast %mul3A_377 : f32 to vector<512x64xf32>
      %mul3A_379 = arith.mulf %mul3A_378, %add3A_376 : vector<512x64xf32>
      %mul3A_380 = arith.mulf %add3A_363, %mul3A_379 : vector<512x64xf32>
      %get3A_381 = arith.constant 0 : index
      %get3A_382 = arith.constant 0 : index
      %get3A_383 = vector.load %arg11[%get3A_381, %get3A_382] : memref<64x64xf32, #tpu.memory_space<vmem>>, vector<64x64xf32>
      %dot_general3A_384 = arith.constant dense<0.000000e+00> : vector<512x64xf32>
      %dot_general3A_385 = tpu.matmul %mul3A_380, %get3A_383, %dot_general3A_384 {dimension_numbers = #tpu.dot_dimension_numbers<[1], [0], [0], [1], [0, 0, 1, 1], [], []>, transpose_lhs_hint = false} : vector<512x64xf32>, vector<64x64xf32>, vector<512x64xf32> -> vector<512x64xf32>
      %get3A_386 = arith.constant 0 : index
      %get3A_387 = arith.constant 0 : index
      %get3A_388 = vector.load %arg12[%get3A_386, %get3A_387] : memref<1x64xf32, #tpu.memory_space<vmem>>, vector<1x64xf32>
      %add3A_389 = vector.broadcast %get3A_388 : vector<1x64xf32> to vector<512x64xf32>
      %add3A_390 = arith.addf %dot_general3A_385, %add3A_389 : vector<512x64xf32>
      %integer_pow3A_391 = arith.mulf %add3A_390, %add3A_390 : vector<512x64xf32>
      %integer_pow3A_392 = arith.mulf %add3A_390, %integer_pow3A_391 : vector<512x64xf32>
      %mul3A_393 = arith.constant 4.471500e-02 : f32
      %mul3A_394 = vector.broadcast %mul3A_393 : f32 to vector<512x64xf32>
      %mul3A_395 = arith.mulf %mul3A_394, %integer_pow3A_392 : vector<512x64xf32>
      %add3A_396 = arith.addf %add3A_390, %mul3A_395 : vector<512x64xf32>
      %mul3A_397 = arith.constant 0.797884583 : f32
      %mul3A_398 = vector.broadcast %mul3A_397 : f32 to vector<512x64xf32>
      %mul3A_399 = arith.mulf %mul3A_398, %add3A_396 : vector<512x64xf32>
      %tanh3A_400 = math.tanh %mul3A_399 : vector<512x64xf32>
      %add3A_401 = arith.constant 1.000000e+00 : f32
      %add3A_402 = vector.broadcast %add3A_401 : f32 to vector<512x64xf32>
      %add3A_403 = arith.addf %add3A_402, %tanh3A_400 : vector<512x64xf32>
      %mul3A_404 = arith.constant 5.000000e-01 : f32
      %mul3A_405 = vector.broadcast %mul3A_404 : f32 to vector<512x64xf32>
      %mul3A_406 = arith.mulf %mul3A_405, %add3A_403 : vector<512x64xf32>
      %mul3A_407 = arith.mulf %add3A_390, %mul3A_406 : vector<512x64xf32>
      %get3A_408 = arith.constant 0 : index
      %get3A_409 = arith.constant 0 : index
      %get3A_410 = vector.load %arg13[%get3A_408, %get3A_409] : memref<64x64xf32, #tpu.memory_space<vmem>>, vector<64x64xf32>
      %dot_general3A_411 = arith.constant dense<0.000000e+00> : vector<512x64xf32>
      %dot_general3A_412 = tpu.matmul %mul3A_407, %get3A_410, %dot_general3A_411 {dimension_numbers = #tpu.dot_dimension_numbers<[1], [0], [0], [1], [0, 0, 1, 1], [], []>, transpose_lhs_hint = false} : vector<512x64xf32>, vector<64x64xf32>, vector<512x64xf32> -> vector<512x64xf32>
      %get3A_413 = arith.constant 0 : index
      %get3A_414 = arith.constant 0 : index
      %get3A_415 = vector.load %arg14[%get3A_413, %get3A_414] : memref<1x64xf32, #tpu.memory_space<vmem>>, vector<1x64xf32>
      %add3A_416 = vector.broadcast %get3A_415 : vector<1x64xf32> to vector<512x64xf32>
      %add3A_417 = arith.addf %dot_general3A_412, %add3A_416 : vector<512x64xf32>
      %mul3A_418 = vector.broadcast %exp3A : vector<512x1xf32> to vector<512x64xf32>
      %mul3A_419 = arith.mulf %mul3A_418, %add3A_417 : vector<512x64xf32>
      %slice3A_420 = vector.extract_strided_slice %squeeze3A_175 {offsets = [0, 2], sizes = [512, 16], strides = [1, 1]} : vector<512x128xf32> to vector<512x16xf32>
      %get3A_421 = arith.constant 0 : index
      %get3A_422 = arith.constant 0 : index
      %get3A_423 = vector.load %arg5[%get3A_421, %get3A_422] : memref<16x64xf32, #tpu.memory_space<vmem>>, vector<16x64xf32>
      %dot_general3A_424 = arith.constant dense<0.000000e+00> : vector<512x64xf32>
      %dot_general3A_425 = tpu.matmul %slice3A_420, %get3A_423, %dot_general3A_424 {dimension_numbers = #tpu.dot_dimension_numbers<[1], [0], [0], [1], [0, 0, 1, 1], [], []>, transpose_lhs_hint = false} : vector<512x16xf32>, vector<16x64xf32>, vector<512x64xf32> -> vector<512x64xf32>
      %get3A_426 = arith.constant 0 : index
      %get3A_427 = arith.constant 0 : index
      %get3A_428 = vector.load %arg6[%get3A_426, %get3A_427] : memref<1x64xf32, #tpu.memory_space<vmem>>, vector<1x64xf32>
      %add3A_429 = vector.broadcast %get3A_428 : vector<1x64xf32> to vector<512x64xf32>
      %add3A_430 = arith.addf %dot_general3A_425, %add3A_429 : vector<512x64xf32>
      %slice3A_431 = vector.extract_strided_slice %squeeze3A_175 {offsets = [0, 18], sizes = [512, 16], strides = [1, 1]} : vector<512x128xf32> to vector<512x16xf32>
      %get3A_432 = arith.constant 0 : index
      %get3A_433 = arith.constant 0 : index
      %get3A_434 = vector.load %arg5[%get3A_432, %get3A_433] : memref<16x64xf32, #tpu.memory_space<vmem>>, vector<16x64xf32>
      %dot_general3A_435 = arith.constant dense<0.000000e+00> : vector<512x64xf32>
      %dot_general3A_436 = tpu.matmul %slice3A_431, %get3A_434, %dot_general3A_435 {dimension_numbers = #tpu.dot_dimension_numbers<[1], [0], [0], [1], [0, 0, 1, 1], [], []>, transpose_lhs_hint = false} : vector<512x16xf32>, vector<16x64xf32>, vector<512x64xf32> -> vector<512x64xf32>
      %get3A_437 = arith.constant 0 : index
      %get3A_438 = arith.constant 0 : index
      %get3A_439 = vector.load %arg6[%get3A_437, %get3A_438] : memref<1x64xf32, #tpu.memory_space<vmem>>, vector<1x64xf32>
      %add3A_440 = vector.broadcast %get3A_439 : vector<1x64xf32> to vector<512x64xf32>
      %add3A_441 = arith.addf %dot_general3A_436, %add3A_440 : vector<512x64xf32>
      %get3A_442 = arith.constant 0 : index
      %get3A_443 = arith.constant 0 : index
      %get3A_444 = vector.load %arg23[%get3A_442, %get3A_443] : memref<128x64xf32, #tpu.memory_space<vmem>>, vector<128x64xf32>
      %mul3A_445 = vector.broadcast %transpose3A_327 : vector<128x1xf32> to vector<128x64xf32>
      %mul3A_446 = arith.mulf %get3A_444, %mul3A_445 : vector<128x64xf32>
      %mul3A_447 = arith.mulf %mul3A_419, %add3A_430 : vector<512x64xf32>
      %dot_general3A_448 = arith.constant dense<0.000000e+00> : vector<128x64xf32>
      %dot_general3A_449 = tpu.matmul %convert_element_type3A_178, %mul3A_447, %dot_general3A_448 {dimension_numbers = #tpu.dot_dimension_numbers<[0], [0], [1], [1], [0, 1, 1, 1], [], []>, transpose_lhs_hint = false} : vector<512x128xf32>, vector<512x64xf32>, vector<128x64xf32> -> vector<128x64xf32>
      %add3A_450 = arith.addf %mul3A_446, %dot_general3A_449 : vector<128x64xf32>
      %swap3A_451 = arith.constant 0 : index
      %swap3A_452 = arith.constant 0 : index
      %swap3A_453 = vector.load %arg23[%swap3A_451, %swap3A_452] : memref<128x64xf32, #tpu.memory_space<vmem>>, vector<128x64xf32>
      tpu.vector_store %arg23[%swap3A_451, %swap3A_452], %add3A_450 {strides = array<i32>} : memref<128x64xf32, #tpu.memory_space<vmem>>, vector<128x64xf32>,
      %get3A_454 = arith.constant 0 : index
      %get3A_455 = arith.constant 0 : index
      %get3A_456 = vector.load %arg24[%get3A_454, %get3A_455] : memref<128x64xf32, #tpu.memory_space<vmem>>, vector<128x64xf32>
      %mul3A_457 = vector.broadcast %transpose3A_327 : vector<128x1xf32> to vector<128x64xf32>
      %mul3A_458 = arith.mulf %get3A_456, %mul3A_457 : vector<128x64xf32>
      %mul3A_459 = arith.mulf %mul3A_419, %add3A_441 : vector<512x64xf32>
      %dot_general3A_460 = arith.constant dense<0.000000e+00> : vector<128x64xf32>
      %dot_general3A_461 = tpu.matmul %convert_element_type3A_178, %mul3A_459, %dot_general3A_460 {dimension_numbers = #tpu.dot_dimension_numbers<[0], [0], [1], [1], [0, 1, 1, 1], [], []>, transpose_lhs_hint = false} : vector<512x128xf32>, vector<512x64xf32>, vector<128x64xf32> -> vector<128x64xf32>
      %add3A_462 = arith.addf %mul3A_458, %dot_general3A_461 : vector<128x64xf32>
      %swap3A_463 = arith.constant 0 : index
      %swap3A_464 = arith.constant 0 : index
      %swap3A_465 = vector.load %arg24[%swap3A_463, %swap3A_464] : memref<128x64xf32, #tpu.memory_space<vmem>>, vector<128x64xf32>
      tpu.vector_store %arg24[%swap3A_463, %swap3A_464], %add3A_462 {strides = array<i32>} : memref<128x64xf32, #tpu.memory_space<vmem>>, vector<128x64xf32>,
      %broadcast_in_dim3A_466 = arith.constant 0.000000e+00 : f32
      %broadcast_in_dim3A_467 = vector.broadcast %broadcast_in_dim3A_466 : f32 to vector<512x5xf32>
      %broadcast_in_dim3A_468 = arith.constant 0.000000e+00 : f32
      %broadcast_in_dim3A_469 = vector.broadcast %broadcast_in_dim3A_468 : f32 to vector<512x2xf32>
      %concatenate3A_470 = tpu.concatenate %broadcast_in_dim3A_467, %exp3A, %broadcast_in_dim3A_469 in 1 : vector<512x5xf32>, vector<512x1xf32>, vector<512x2xf32> -> vector<512x8xf32>
      %get3A_471 = arith.constant 0 : index
      %get3A_472 = arith.constant 0 : index
      %get3A_473 = vector.load %arg25[%get3A_471, %get3A_472] : memref<128x8xf32, #tpu.memory_space<vmem>>, vector<128x8xf32>
      %mul3A_474 = vector.broadcast %transpose3A_327 : vector<128x1xf32> to vector<128x8xf32>
      %mul3A_475 = arith.mulf %get3A_473, %mul3A_474 : vector<128x8xf32>
      %dot_general3A_476 = arith.constant dense<0.000000e+00> : vector<128x8xf32>
      %dot_general3A_477 = tpu.matmul %convert_element_type3A_178, %concatenate3A_470, %dot_general3A_476 {dimension_numbers = #tpu.dot_dimension_numbers<[0], [0], [1], [1], [0, 1, 1, 1], [], []>, transpose_lhs_hint = false} : vector<512x128xf32>, vector<512x8xf32>, vector<128x8xf32> -> vector<128x8xf32>
      %add3A_478 = arith.addf %mul3A_475, %dot_general3A_477 : vector<128x8xf32>
      %swap3A_479 = arith.constant 0 : index
      %swap3A_480 = arith.constant 0 : index
      %swap3A_481 = vector.load %arg25[%swap3A_479, %swap3A_480] : memref<128x8xf32, #tpu.memory_space<vmem>>, vector<128x8xf32>
      tpu.vector_store %arg25[%swap3A_479, %swap3A_480], %add3A_478 {strides = array<i32>} : memref<128x8xf32, #tpu.memory_space<vmem>>, vector<128x8xf32>,
    }
    %while3A_61 = arith.constant 1 : i32
    scf.for %while3A_139 = %while3A_59 to %while3A_55 step %while3A_61  : i32 {
      %add3A_140 = arith.constant 1 : i32
      %add3A_141 = arith.addi %while3A_139, %add3A_140 : i32
      %lt3A = arith.cmpi slt, %add3A_141, %select_n3A : i32
      %convert_element_type3A_142 = arith.extui %lt3A : i1 to i32
      %cond3A_143 = arith.constant 0 : i32
      %cond3A_144 = arith.cmpi ne, %convert_element_type3A_142, %cond3A_143 : i32
      scf.if %cond3A_144 {
        %add3A_482 = arith.constant 1 : i32
        %add3A_483 = arith.addi %while3A_139, %add3A_482 : i32
        %mul3A_484 = arith.constant 512 : i32
        %mul3A_485 = arith.muli %add3A_483, %mul3A_484 : i32
        %add3A_486 = arith.addi %get3A_0, %mul3A_485 : i32
        %rem3A_487 = arith.constant 2 : i32
        %rem3A_488 = arith.remsi %add3A_483, %rem3A_487 : i32
        %dma_start3A = tpu.memref_slice %arg19[%rem3A_488] : memref<2x!tpu.dma_semaphore, #tpu.memory_space<semaphore_mem>> -> memref<1x!tpu.dma_semaphore, #tpu.memory_space<semaphore_mem>>
        %dma_start3A_489 = tpu.memref_squeeze %dma_start3A : memref<1x!tpu.dma_semaphore, #tpu.memory_space<semaphore_mem>> -> memref<!tpu.dma_semaphore, #tpu.memory_space<semaphore_mem>>
        %dma_start3A_490 = arith.constant 0 : i32
        %dma_start3A_491 = arith.constant 0 : i32
        %dma_start3A_492 = tpu.memref_slice %arg17[%rem3A_488, %dma_start3A_490, %dma_start3A_491] : memref<2x512x128xf32, #tpu.memory_space<vmem>> -> memref<1x512x128xf32, #tpu.memory_space<vmem>>
        %dma_start3A_493 = tpu.memref_squeeze %dma_start3A_492 : memref<1x512x128xf32, #tpu.memory_space<vmem>> -> memref<512x128xf32, #tpu.memory_space<vmem>>
        %dma_start3A_494 = arith.constant 0 : i32
        %dma_start3A_495 = tpu.memref_slice %arg2[%add3A_486, %dma_start3A_494] : memref<253952x128xf32, #tpu.memory_space<any>> -> memref<512x128xf32, #tpu.memory_space<any>>
        tpu.enqueue_dma source(%dma_start3A_495 : memref<512x128xf32, #tpu.memory_space<any>>) target(%dma_start3A_493 : memref<512x128xf32, #tpu.memory_space<vmem>>) target_semaphore(%dma_start3A_489 : memref<!tpu.dma_semaphore, #tpu.memory_space<semaphore_mem>>)
        %dma_start3A_496 = tpu.memref_slice %arg20[%rem3A_488] : memref<2x!tpu.dma_semaphore, #tpu.memory_space<semaphore_mem>> -> memref<1x!tpu.dma_semaphore, #tpu.memory_space<semaphore_mem>>
        %dma_start3A_497 = tpu.memref_squeeze %dma_start3A_496 : memref<1x!tpu.dma_semaphore, #tpu.memory_space<semaphore_mem>> -> memref<!tpu.dma_semaphore, #tpu.memory_space<semaphore_mem>>
        %dma_start3A_498 = arith.constant 0 : i32
        %dma_start3A_499 = arith.constant 0 : i32
        %dma_start3A_500 = tpu.memref_slice %arg18[%rem3A_488, %dma_start3A_498, %dma_start3A_499] : memref<2x512x1xi32, #tpu.memory_space<vmem>> -> memref<1x512x1xi32, #tpu.memory_space<vmem>>
        %dma_start3A_501 = tpu.memref_squeeze %dma_start3A_500 : memref<1x512x1xi32, #tpu.memory_space<vmem>> -> memref<512x1xi32, #tpu.memory_space<vmem>>
        %dma_start3A_502 = arith.constant 0 : i32
        %dma_start3A_503 = tpu.memref_slice %arg3[%add3A_486, %dma_start3A_502] : memref<253952x1xi32, #tpu.memory_space<any>> -> memref<512x1xi32, #tpu.memory_space<any>>
        tpu.enqueue_dma source(%dma_start3A_503 : memref<512x1xi32, #tpu.memory_space<any>>) target(%dma_start3A_501 : memref<512x1xi32, #tpu.memory_space<vmem>>) target_semaphore(%dma_start3A_497 : memref<!tpu.dma_semaphore, #tpu.memory_space<semaphore_mem>>)
      } else {
      }
      %mul3A_145 = arith.constant 512 : i32
      %mul3A_146 = arith.muli %while3A_139, %mul3A_145 : i32
      %add3A_147 = arith.addi %get3A_0, %mul3A_146 : i32
      %rem3A_148 = arith.constant 2 : i32
      %rem3A_149 = arith.remsi %while3A_139, %rem3A_148 : i32
      %dma_wait3A = tpu.memref_slice %arg19[%rem3A_149] : memref<2x!tpu.dma_semaphore, #tpu.memory_space<semaphore_mem>> -> memref<1x!tpu.dma_semaphore, #tpu.memory_space<semaphore_mem>>
      %dma_wait3A_150 = tpu.memref_squeeze %dma_wait3A : memref<1x!tpu.dma_semaphore, #tpu.memory_space<semaphore_mem>> -> memref<!tpu.dma_semaphore, #tpu.memory_space<semaphore_mem>>
      %dma_wait3A_151 = arith.constant 0 : i32
      %dma_wait3A_152 = arith.constant 0 : i32
      %dma_wait3A_153 = tpu.memref_slice %arg17[%rem3A_149, %dma_wait3A_151, %dma_wait3A_152] : memref<2x512x128xf32, #tpu.memory_space<vmem>> -> memref<1x512x128xf32, #tpu.memory_space<vmem>>
      %dma_wait3A_154 = tpu.memref_squeeze %dma_wait3A_153 : memref<1x512x128xf32, #tpu.memory_space<vmem>> -> memref<512x128xf32, #tpu.memory_space<vmem>>
      %dma_wait3A_155 = arith.constant 0 : i32
      %dma_wait3A_156 = tpu.memref_slice %arg2[%add3A_147, %dma_wait3A_155] : memref<253952x128xf32, #tpu.memory_space<any>> -> memref<512x128xf32, #tpu.memory_space<any>>
      tpu.wait_dma2 semaphore(%dma_wait3A_150 : memref<!tpu.dma_semaphore, #tpu.memory_space<semaphore_mem>>) src(%dma_wait3A_156 : memref<512x128xf32, #tpu.memory_space<any>>) dst(%dma_wait3A_154 : memref<512x128xf32, #tpu.memory_space<vmem>>)
      %dma_wait3A_157 = tpu.memref_slice %arg20[%rem3A_149] : memref<2x!tpu.dma_semaphore, #tpu.memory_space<semaphore_mem>> -> memref<1x!tpu.dma_semaphore, #tpu.memory_space<semaphore_mem>>
      %dma_wait3A_158 = tpu.memref_squeeze %dma_wait3A_157 : memref<1x!tpu.dma_semaphore, #tpu.memory_space<semaphore_mem>> -> memref<!tpu.dma_semaphore, #tpu.memory_space<semaphore_mem>>
      %dma_wait3A_159 = arith.constant 0 : i32
      %dma_wait3A_160 = arith.constant 0 : i32
      %dma_wait3A_161 = tpu.memref_slice %arg18[%rem3A_149, %dma_wait3A_159, %dma_wait3A_160] : memref<2x512x1xi32, #tpu.memory_space<vmem>> -> memref<1x512x1xi32, #tpu.memory_space<vmem>>
      %dma_wait3A_162 = tpu.memref_squeeze %dma_wait3A_161 : memref<1x512x1xi32, #tpu.memory_space<vmem>> -> memref<512x1xi32, #tpu.memory_space<vmem>>
      %dma_wait3A_163 = arith.constant 0 : i32
      %dma_wait3A_164 = tpu.memref_slice %arg3[%add3A_147, %dma_wait3A_163] : memref<253952x1xi32, #tpu.memory_space<any>> -> memref<512x1xi32, #tpu.memory_space<any>>
      tpu.wait_dma2 semaphore(%dma_wait3A_158 : memref<!tpu.dma_semaphore, #tpu.memory_space<semaphore_mem>>) src(%dma_wait3A_164 : memref<512x1xi32, #tpu.memory_space<any>>) dst(%dma_wait3A_162 : memref<512x1xi32, #tpu.memory_space<vmem>>)
      %rem3A_165 = arith.constant 2 : i32
      %rem3A_166 = arith.remsi %while3A_139, %rem3A_165 : i32
      %get3A_167 = arith.index_cast %rem3A_166 : i32 to index
      %get3A_168 = arith.constant 0 : index
      %get3A_169 = arith.constant 0 : index
      %get3A_170 = vector.load %arg18[%get3A_167, %get3A_168, %get3A_169] : memref<2x512x1xi32, #tpu.memory_space<vmem>>, vector<1x512x1xi32>
      %squeeze3A = vector.shape_cast %get3A_170 : vector<1x512x1xi32> to vector<512x1xi32>
      %get3A_171 = arith.index_cast %rem3A_166 : i32 to index
      %get3A_172 = arith.constant 0 : index
      %get3A_173 = arith.constant 0 : index
      %get3A_174 = vector.load %arg17[%get3A_171, %get3A_172, %get3A_173] : memref<2x512x128xf32, #tpu.memory_space<vmem>>, vector<1x512x128xf32>
      %squeeze3A_175 = vector.shape_cast %get3A_174 : vector<1x512x128xf32> to vector<512x128xf32>
      %slice3A = vector.extract_strided_slice %squeeze3A_175 {offsets = [0, 0], sizes = [512, 2], strides = [1, 1]} : vector<512x128xf32> to vector<512x2xf32>
      %eq3A = vector.broadcast %squeeze3A : vector<512x1xi32> to vector<512x128xi32>
      %eq3A_176 = arith.cmpi eq, %eq3A, %add3A_27 : vector<512x128xi32>
      %convert_element_type3A_177 = arith.extui %eq3A_176 : vector<512x128xi1> to vector<512x128xi32>
      %convert_element_type3A_178 = arith.sitofp %convert_element_type3A_177 : vector<512x128xi32> to vector<512x128xf32>
      %get3A_179 = arith.constant 0 : index
      %get3A_180 = arith.constant 0 : index
      %get3A_181 = vector.load %arg4[%get3A_179, %get3A_180] : memref<128x8xf32, #tpu.memory_space<vmem>>, vector<128x8xf32>
      %dot_general3A = arith.constant dense<0.000000e+00> : vector<512x8xf32>
      %dot_general3A_182 = tpu.matmul %convert_element_type3A_178, %get3A_181, %dot_general3A {dimension_numbers = #tpu.dot_dimension_numbers<[1], [0], [0], [1], [0, 0, 1, 1], [], []>, transpose_lhs_hint = false} : vector<512x128xf32>, vector<128x8xf32>, vector<512x8xf32> -> vector<512x8xf32>
      %slice3A_183 = vector.extract_strided_slice %dot_general3A_182 {offsets = [0, 0], sizes = [512, 2], strides = [1, 1]} : vector<512x8xf32> to vector<512x2xf32>
      %mul3A_184 = arith.mulf %slice3A, %slice3A : vector<512x2xf32>
      %reduce_sum3A = arith.constant dense<0.000000e+00> : vector<512xf32>
      %reduce_sum3A_185 = vector.multi_reduction <add>, %mul3A_184, %reduce_sum3A [1] : vector<512x2xf32> to vector<512xf32>
      %broadcast_in_dim3A_186 = vector.shape_cast %reduce_sum3A_185 : vector<512xf32> to vector<512x1xf32>
      %sqrt3A_187 = math.sqrt %broadcast_in_dim3A_186 : vector<512x1xf32>
      %mul3A_188 = arith.mulf %slice3A_183, %slice3A_183 : vector<512x2xf32>
      %reduce_sum3A_189 = arith.constant dense<0.000000e+00> : vector<512xf32>
      %reduce_sum3A_190 = vector.multi_reduction <add>, %mul3A_188, %reduce_sum3A_189 [1] : vector<512x2xf32> to vector<512xf32>
      %broadcast_in_dim3A_191 = vector.shape_cast %reduce_sum3A_190 : vector<512xf32> to vector<512x1xf32>
      %sqrt3A_192 = math.sqrt %broadcast_in_dim3A_191 : vector<512x1xf32>
      %mul3A_193 = arith.mulf %slice3A, %slice3A_183 : vector<512x2xf32>
      %reduce_sum3A_194 = arith.constant dense<0.000000e+00> : vector<512xf32>
      %reduce_sum3A_195 = vector.multi_reduction <add>, %mul3A_193, %reduce_sum3A_194 [1] : vector<512x2xf32> to vector<512xf32>
      %broadcast_in_dim3A_196 = vector.shape_cast %reduce_sum3A_195 : vector<512xf32> to vector<512x1xf32>
      %mul3A_197 = arith.mulf %sqrt3A_187, %sqrt3A_192 : vector<512x1xf32>
      %add3A_198 = arith.constant 9.99999993E-9 : f32
      %add3A_199 = vector.broadcast %add3A_198 : f32 to vector<512x1xf32>
      %add3A_200 = arith.addf %mul3A_197, %add3A_199 : vector<512x1xf32>
      %div3A_201 = arith.divf %broadcast_in_dim3A_196, %add3A_200 : vector<512x1xf32>
      %gt3A_202 = arith.constant 0.000000e+00 : f32
      %gt3A_203 = vector.broadcast %gt3A_202 : f32 to vector<512x128xf32>
      %gt3A_204 = arith.cmpf ogt, %convert_element_type3A_178, %gt3A_203 : vector<512x128xf32>
      %sub3A_205 = arith.subf %slice3A, %slice3A_183 : vector<512x2xf32>
      %mul3A_206 = arith.mulf %sub3A_205, %sub3A_205 : vector<512x2xf32>
      %broadcast_in_dim3A_207 = arith.constant 1.000000e+00 : f32
      %broadcast_in_dim3A_208 = vector.broadcast %broadcast_in_dim3A_207 : f32 to vector<512x1xf32>
      %broadcast_in_dim3A_209 = arith.constant 0.000000e+00 : f32
      %broadcast_in_dim3A_210 = vector.broadcast %broadcast_in_dim3A_209 : f32 to vector<512x3xf32>
      %concatenate3A_211 = tpu.concatenate %sub3A_205, %mul3A_206, %broadcast_in_dim3A_208, %broadcast_in_dim3A_210 in 1 : vector<512x2xf32>, vector<512x2xf32>, vector<512x1xf32>, vector<512x3xf32> -> vector<512x8xf32>
      %get3A_212 = arith.constant 0 : index
      %get3A_213 = arith.constant 0 : index
      %get3A_214 = vector.load %arg21[%get3A_212, %get3A_213] : memref<128x8xf32, #tpu.memory_space<vmem>>, vector<128x8xf32>
      %dot_general3A_215 = arith.constant dense<0.000000e+00> : vector<128x8xf32>
      %dot_general3A_216 = tpu.matmul %convert_element_type3A_178, %concatenate3A_211, %dot_general3A_215 {dimension_numbers = #tpu.dot_dimension_numbers<[0], [0], [1], [1], [0, 1, 1, 1], [], []>, transpose_lhs_hint = false} : vector<512x128xf32>, vector<512x8xf32>, vector<128x8xf32> -> vector<128x8xf32>
      %add3A_217 = arith.addf %get3A_214, %dot_general3A_216 : vector<128x8xf32>
      %swap3A_218 = arith.constant 0 : index
      %swap3A_219 = arith.constant 0 : index
      %swap3A_220 = vector.load %arg21[%swap3A_218, %swap3A_219] : memref<128x8xf32, #tpu.memory_space<vmem>>, vector<128x8xf32>
      tpu.vector_store %arg21[%swap3A_218, %swap3A_219], %add3A_217 {strides = array<i32>} : memref<128x8xf32, #tpu.memory_space<vmem>>, vector<128x8xf32>,
      %slice3A_221 = vector.extract_strided_slice %sub3A_205 {offsets = [0, 0], sizes = [512, 1], strides = [1, 1]} : vector<512x2xf32> to vector<512x1xf32>
      %slice3A_222 = vector.extract_strided_slice %sub3A_205 {offsets = [0, 1], sizes = [512, 1], strides = [1, 1]} : vector<512x2xf32> to vector<512x1xf32>
      %slice3A_223 = vector.extract_strided_slice %sub3A_205 {offsets = [0, 0], sizes = [512, 1], strides = [1, 1]} : vector<512x2xf32> to vector<512x1xf32>
      %neg3A_224 = arith.constant 0.000000e+00 : f32
      %neg3A_225 = vector.broadcast %neg3A_224 : f32 to vector<512x1xf32>
      %neg3A_226 = arith.subf %neg3A_225, %slice3A_223 : vector<512x1xf32>
      %slice3A_227 = vector.extract_strided_slice %sub3A_205 {offsets = [0, 1], sizes = [512, 1], strides = [1, 1]} : vector<512x2xf32> to vector<512x1xf32>
      %neg3A_228 = arith.constant 0.000000e+00 : f32
      %neg3A_229 = vector.broadcast %neg3A_228 : f32 to vector<512x1xf32>
      %neg3A_230 = arith.subf %neg3A_229, %slice3A_227 : vector<512x1xf32>
      %concatenate3A_231 = tpu.concatenate %slice3A_221, %slice3A_222, %neg3A_226, %neg3A_230 in 1 : vector<512x1xf32>, vector<512x1xf32>, vector<512x1xf32>, vector<512x1xf32> -> vector<512x4xf32>
      %get3A_232 = arith.constant 1 : index
      %get3A_233 = arith.constant 0 : index
      %get3A_234 = vector.load %arg22[%get3A_232, %get3A_233] : memref<8x128xf32, #tpu.memory_space<vmem>>, vector<1x128xf32>
      %slice3A_235 = vector.extract_strided_slice %concatenate3A_231 {offsets = [0, 0], sizes = [512, 1], strides = [1, 1]} : vector<512x4xf32> to vector<512x1xf32>
      %jit3A_236 = arith.constant -1.000000e+30 : f32
      %broadcast_in_dim3A_237 = vector.shape_cast %slice3A_235 : vector<512x1xf32> to vector<512x1xf32>
      %broadcast_in_dim3A_238 = vector.broadcast %broadcast_in_dim3A_237 : vector<512x1xf32> to vector<512x128xf32>
      %broadcast_in_dim3A_239 = vector.broadcast %jit3A_236 : f32 to vector<512x128xf32>
      %select_n3A_240 = arith.select %gt3A_204, %broadcast_in_dim3A_238, %broadcast_in_dim3A_239 : vector<512x128xi1>, vector<512x128xf32>
      %reduce_max3A = arith.constant dense<0xFF800000> : vector<128xf32>
      %reduce_max3A_241 = vector.multi_reduction <maximumf>, %select_n3A_240, %reduce_max3A [0] : vector<512x128xf32> to vector<128xf32>
      %broadcast_in_dim3A_242 = vector.shape_cast %reduce_max3A_241 : vector<128xf32> to vector<1x128xf32>
      %max3A_243 = arith.maximumf %get3A_234, %broadcast_in_dim3A_242 : vector<1x128xf32>
      %swap3A_244 = arith.constant 1 : index
      %swap3A_245 = arith.constant 0 : index
      %swap3A_246 = vector.load %arg22[%swap3A_244, %swap3A_245] : memref<8x128xf32, #tpu.memory_space<vmem>>, vector<1x128xf32>
      tpu.vector_store %arg22[%swap3A_244, %swap3A_245], %max3A_243 {strides = array<i32>} : memref<8x128xf32, #tpu.memory_space<vmem>>, vector<1x128xf32>,
      %get3A_247 = arith.constant 2 : index
      %get3A_248 = arith.constant 0 : index
      %get3A_249 = vector.load %arg22[%get3A_247, %get3A_248] : memref<8x128xf32, #tpu.memory_space<vmem>>, vector<1x128xf32>
      %slice3A_250 = vector.extract_strided_slice %concatenate3A_231 {offsets = [0, 1], sizes = [512, 1], strides = [1, 1]} : vector<512x4xf32> to vector<512x1xf32>
      %jit3A_251 = arith.constant -1.000000e+30 : f32
      %broadcast_in_dim3A_252 = vector.shape_cast %slice3A_250 : vector<512x1xf32> to vector<512x1xf32>
      %broadcast_in_dim3A_253 = vector.broadcast %broadcast_in_dim3A_252 : vector<512x1xf32> to vector<512x128xf32>
      %broadcast_in_dim3A_254 = vector.broadcast %jit3A_251 : f32 to vector<512x128xf32>
      %select_n3A_255 = arith.select %gt3A_204, %broadcast_in_dim3A_253, %broadcast_in_dim3A_254 : vector<512x128xi1>, vector<512x128xf32>
      %reduce_max3A_256 = arith.constant dense<0xFF800000> : vector<128xf32>
      %reduce_max3A_257 = vector.multi_reduction <maximumf>, %select_n3A_255, %reduce_max3A_256 [0] : vector<512x128xf32> to vector<128xf32>
      %broadcast_in_dim3A_258 = vector.shape_cast %reduce_max3A_257 : vector<128xf32> to vector<1x128xf32>
      %max3A_259 = arith.maximumf %get3A_249, %broadcast_in_dim3A_258 : vector<1x128xf32>
      %swap3A_260 = arith.constant 2 : index
      %swap3A_261 = arith.constant 0 : index
      %swap3A_262 = vector.load %arg22[%swap3A_260, %swap3A_261] : memref<8x128xf32, #tpu.memory_space<vmem>>, vector<1x128xf32>
      tpu.vector_store %arg22[%swap3A_260, %swap3A_261], %max3A_259 {strides = array<i32>} : memref<8x128xf32, #tpu.memory_space<vmem>>, vector<1x128xf32>,
      %get3A_263 = arith.constant 3 : index
      %get3A_264 = arith.constant 0 : index
      %get3A_265 = vector.load %arg22[%get3A_263, %get3A_264] : memref<8x128xf32, #tpu.memory_space<vmem>>, vector<1x128xf32>
      %slice3A_266 = vector.extract_strided_slice %concatenate3A_231 {offsets = [0, 2], sizes = [512, 1], strides = [1, 1]} : vector<512x4xf32> to vector<512x1xf32>
      %jit3A_267 = arith.constant -1.000000e+30 : f32
      %broadcast_in_dim3A_268 = vector.shape_cast %slice3A_266 : vector<512x1xf32> to vector<512x1xf32>
      %broadcast_in_dim3A_269 = vector.broadcast %broadcast_in_dim3A_268 : vector<512x1xf32> to vector<512x128xf32>
      %broadcast_in_dim3A_270 = vector.broadcast %jit3A_267 : f32 to vector<512x128xf32>
      %select_n3A_271 = arith.select %gt3A_204, %broadcast_in_dim3A_269, %broadcast_in_dim3A_270 : vector<512x128xi1>, vector<512x128xf32>
      %reduce_max3A_272 = arith.constant dense<0xFF800000> : vector<128xf32>
      %reduce_max3A_273 = vector.multi_reduction <maximumf>, %select_n3A_271, %reduce_max3A_272 [0] : vector<512x128xf32> to vector<128xf32>
      %broadcast_in_dim3A_274 = vector.shape_cast %reduce_max3A_273 : vector<128xf32> to vector<1x128xf32>
      %max3A_275 = arith.maximumf %get3A_265, %broadcast_in_dim3A_274 : vector<1x128xf32>
      %swap3A_276 = arith.constant 3 : index
      %swap3A_277 = arith.constant 0 : index
      %swap3A_278 = vector.load %arg22[%swap3A_276, %swap3A_277] : memref<8x128xf32, #tpu.memory_space<vmem>>, vector<1x128xf32>
      tpu.vector_store %arg22[%swap3A_276, %swap3A_277], %max3A_275 {strides = array<i32>} : memref<8x128xf32, #tpu.memory_space<vmem>>, vector<1x128xf32>,
      %get3A_279 = arith.constant 4 : index
      %get3A_280 = arith.constant 0 : index
      %get3A_281 = vector.load %arg22[%get3A_279, %get3A_280] : memref<8x128xf32, #tpu.memory_space<vmem>>, vector<1x128xf32>
      %slice3A_282 = vector.extract_strided_slice %concatenate3A_231 {offsets = [0, 3], sizes = [512, 1], strides = [1, 1]} : vector<512x4xf32> to vector<512x1xf32>
      %jit3A_283 = arith.constant -1.000000e+30 : f32
      %broadcast_in_dim3A_284 = vector.shape_cast %slice3A_282 : vector<512x1xf32> to vector<512x1xf32>
      %broadcast_in_dim3A_285 = vector.broadcast %broadcast_in_dim3A_284 : vector<512x1xf32> to vector<512x128xf32>
      %broadcast_in_dim3A_286 = vector.broadcast %jit3A_283 : f32 to vector<512x128xf32>
      %select_n3A_287 = arith.select %gt3A_204, %broadcast_in_dim3A_285, %broadcast_in_dim3A_286 : vector<512x128xi1>, vector<512x128xf32>
      %reduce_max3A_288 = arith.constant dense<0xFF800000> : vector<128xf32>
      %reduce_max3A_289 = vector.multi_reduction <maximumf>, %select_n3A_287, %reduce_max3A_288 [0] : vector<512x128xf32> to vector<128xf32>
      %broadcast_in_dim3A_290 = vector.shape_cast %reduce_max3A_289 : vector<128xf32> to vector<1x128xf32>
      %max3A_291 = arith.maximumf %get3A_281, %broadcast_in_dim3A_290 : vector<1x128xf32>
      %swap3A_292 = arith.constant 4 : index
      %swap3A_293 = arith.constant 0 : index
      %swap3A_294 = vector.load %arg22[%swap3A_292, %swap3A_293] : memref<8x128xf32, #tpu.memory_space<vmem>>, vector<1x128xf32>
      tpu.vector_store %arg22[%swap3A_292, %swap3A_293], %max3A_291 {strides = array<i32>} : memref<8x128xf32, #tpu.memory_space<vmem>>, vector<1x128xf32>,
      %jit3A_295 = arith.constant -1.000000e+30 : f32
      %broadcast_in_dim3A_296 = vector.shape_cast %div3A_201 : vector<512x1xf32> to vector<512x1xf32>
      %broadcast_in_dim3A_297 = vector.broadcast %broadcast_in_dim3A_296 : vector<512x1xf32> to vector<512x128xf32>
      %broadcast_in_dim3A_298 = vector.broadcast %jit3A_295 : f32 to vector<512x128xf32>
      %select_n3A_299 = arith.select %gt3A_204, %broadcast_in_dim3A_297, %broadcast_in_dim3A_298 : vector<512x128xi1>, vector<512x128xf32>
      %reduce_max3A_300 = arith.constant dense<0xFF800000> : vector<128xf32>
      %reduce_max3A_301 = vector.multi_reduction <maximumf>, %select_n3A_299, %reduce_max3A_300 [0] : vector<512x128xf32> to vector<128xf32>
      %broadcast_in_dim3A_302 = vector.shape_cast %reduce_max3A_301 : vector<128xf32> to vector<1x128xf32>
      %get3A_303 = arith.constant 0 : index
      %get3A_304 = arith.constant 0 : index
      %get3A_305 = vector.load %arg22[%get3A_303, %get3A_304] : memref<8x128xf32, #tpu.memory_space<vmem>>, vector<1x128xf32>
      %max3A_306 = arith.maximumf %get3A_305, %broadcast_in_dim3A_302 : vector<1x128xf32>
      %swap3A_307 = arith.constant 0 : index
      %swap3A_308 = arith.constant 0 : index
      %swap3A_309 = vector.load %arg22[%swap3A_307, %swap3A_308] : memref<8x128xf32, #tpu.memory_space<vmem>>, vector<1x128xf32>
      tpu.vector_store %arg22[%swap3A_307, %swap3A_308], %max3A_306 {strides = array<i32>} : memref<8x128xf32, #tpu.memory_space<vmem>>, vector<1x128xf32>,
      %gt3A_310 = arith.constant -5.000000e+29 : f32
      %gt3A_311 = vector.broadcast %gt3A_310 : f32 to vector<1x128xf32>
      %gt3A_312 = arith.cmpf ogt, %max3A_306, %gt3A_311 : vector<1x128xf32>
      %jit3A_313 = arith.constant 0.000000e+00 : f32
      %broadcast_in_dim3A_314 = vector.broadcast %jit3A_313 : f32 to vector<1x128xf32>
      %select_n3A_315 = arith.select %gt3A_312, %max3A_306, %broadcast_in_dim3A_314 : vector<1x128xi1>, vector<1x128xf32>
      %jit3A_316 = arith.constant 0.000000e+00 : f32
      %broadcast_in_dim3A_317 = vector.shape_cast %select_n3A_315 : vector<1x128xf32> to vector<1x128xf32>
      %broadcast_in_dim3A_318 = vector.broadcast %broadcast_in_dim3A_317 : vector<1x128xf32> to vector<512x128xf32>
      %broadcast_in_dim3A_319 = vector.broadcast %jit3A_316 : f32 to vector<512x128xf32>
      %select_n3A_320 = arith.select %gt3A_204, %broadcast_in_dim3A_318, %broadcast_in_dim3A_319 : vector<512x128xi1>, vector<512x128xf32>
      %reduce_max3A_321 = arith.constant dense<0xFF800000> : vector<512xf32>
      %reduce_max3A_322 = vector.multi_reduction <maximumf>, %select_n3A_320, %reduce_max3A_321 [1] : vector<512x128xf32> to vector<512xf32>
      %broadcast_in_dim3A_323 = vector.shape_cast %reduce_max3A_322 : vector<512xf32> to vector<512x1xf32>
      %sub3A_324 = arith.subf %div3A_201, %broadcast_in_dim3A_323 : vector<512x1xf32>
      %exp3A = math.exp %sub3A_324 : vector<512x1xf32>
      %sub3A_325 = arith.subf %get3A_305, %max3A_306 : vector<1x128xf32>
      %exp3A_326 = math.exp %sub3A_325 : vector<1x128xf32>
      %transpose3A_327 = tpu.transpose %exp3A_326, [1, 0] : vector<1x128xf32> -> vector<128x1xf32>
      %concatenate3A_328 = tpu.concatenate %slice3A, %slice3A_183 in 1 : vector<512x2xf32>, vector<512x2xf32> -> vector<512x4xf32>
      %get3A_329 = arith.constant 0 : index
      %get3A_330 = arith.constant 0 : index
      %get3A_331 = vector.load %arg7[%get3A_329, %get3A_330] : memref<4x64xf32, #tpu.memory_space<vmem>>, vector<4x64xf32>
      %dot_general3A_332 = arith.constant dense<0.000000e+00> : vector<512x64xf32>
      %dot_general3A_333 = tpu.matmul %concatenate3A_328, %get3A_331, %dot_general3A_332 {dimension_numbers = #tpu.dot_dimension_numbers<[1], [0], [0], [1], [0, 0, 1, 1], [], []>, transpose_lhs_hint = false} : vector<512x4xf32>, vector<4x64xf32>, vector<512x64xf32> -> vector<512x64xf32>
      %get3A_334 = arith.constant 0 : index
      %get3A_335 = arith.constant 0 : index
      %get3A_336 = vector.load %arg8[%get3A_334, %get3A_335] : memref<1x64xf32, #tpu.memory_space<vmem>>, vector<1x64xf32>
      %add3A_337 = vector.broadcast %get3A_336 : vector<1x64xf32> to vector<512x64xf32>
      %add3A_338 = arith.addf %dot_general3A_333, %add3A_337 : vector<512x64xf32>
      %integer_pow3A = arith.mulf %add3A_338, %add3A_338 : vector<512x64xf32>
      %integer_pow3A_339 = arith.mulf %add3A_338, %integer_pow3A : vector<512x64xf32>
      %mul3A_340 = arith.constant 4.471500e-02 : f32
      %mul3A_341 = vector.broadcast %mul3A_340 : f32 to vector<512x64xf32>
      %mul3A_342 = arith.mulf %mul3A_341, %integer_pow3A_339 : vector<512x64xf32>
      %add3A_343 = arith.addf %add3A_338, %mul3A_342 : vector<512x64xf32>
      %mul3A_344 = arith.constant 0.797884583 : f32
      %mul3A_345 = vector.broadcast %mul3A_344 : f32 to vector<512x64xf32>
      %mul3A_346 = arith.mulf %mul3A_345, %add3A_343 : vector<512x64xf32>
      %tanh3A = math.tanh %mul3A_346 : vector<512x64xf32>
      %add3A_347 = arith.constant 1.000000e+00 : f32
      %add3A_348 = vector.broadcast %add3A_347 : f32 to vector<512x64xf32>
      %add3A_349 = arith.addf %add3A_348, %tanh3A : vector<512x64xf32>
      %mul3A_350 = arith.constant 5.000000e-01 : f32
      %mul3A_351 = vector.broadcast %mul3A_350 : f32 to vector<512x64xf32>
      %mul3A_352 = arith.mulf %mul3A_351, %add3A_349 : vector<512x64xf32>
      %mul3A_353 = arith.mulf %add3A_338, %mul3A_352 : vector<512x64xf32>
      %get3A_354 = arith.constant 0 : index
      %get3A_355 = arith.constant 0 : index
      %get3A_356 = vector.load %arg9[%get3A_354, %get3A_355] : memref<64x64xf32, #tpu.memory_space<vmem>>, vector<64x64xf32>
      %dot_general3A_357 = arith.constant dense<0.000000e+00> : vector<512x64xf32>
      %dot_general3A_358 = tpu.matmul %mul3A_353, %get3A_356, %dot_general3A_357 {dimension_numbers = #tpu.dot_dimension_numbers<[1], [0], [0], [1], [0, 0, 1, 1], [], []>, transpose_lhs_hint = false} : vector<512x64xf32>, vector<64x64xf32>, vector<512x64xf32> -> vector<512x64xf32>
      %get3A_359 = arith.constant 0 : index
      %get3A_360 = arith.constant 0 : index
      %get3A_361 = vector.load %arg10[%get3A_359, %get3A_360] : memref<1x64xf32, #tpu.memory_space<vmem>>, vector<1x64xf32>
      %add3A_362 = vector.broadcast %get3A_361 : vector<1x64xf32> to vector<512x64xf32>
      %add3A_363 = arith.addf %dot_general3A_358, %add3A_362 : vector<512x64xf32>
      %integer_pow3A_364 = arith.mulf %add3A_363, %add3A_363 : vector<512x64xf32>
      %integer_pow3A_365 = arith.mulf %add3A_363, %integer_pow3A_364 : vector<512x64xf32>
      %mul3A_366 = arith.constant 4.471500e-02 : f32
      %mul3A_367 = vector.broadcast %mul3A_366 : f32 to vector<512x64xf32>
      %mul3A_368 = arith.mulf %mul3A_367, %integer_pow3A_365 : vector<512x64xf32>
      %add3A_369 = arith.addf %add3A_363, %mul3A_368 : vector<512x64xf32>
      %mul3A_370 = arith.constant 0.797884583 : f32
      %mul3A_371 = vector.broadcast %mul3A_370 : f32 to vector<512x64xf32>
      %mul3A_372 = arith.mulf %mul3A_371, %add3A_369 : vector<512x64xf32>
      %tanh3A_373 = math.tanh %mul3A_372 : vector<512x64xf32>
      %add3A_374 = arith.constant 1.000000e+00 : f32
      %add3A_375 = vector.broadcast %add3A_374 : f32 to vector<512x64xf32>
      %add3A_376 = arith.addf %add3A_375, %tanh3A_373 : vector<512x64xf32>
      %mul3A_377 = arith.constant 5.000000e-01 : f32
      %mul3A_378 = vector.broadcast %mul3A_377 : f32 to vector<512x64xf32>
      %mul3A_379 = arith.mulf %mul3A_378, %add3A_376 : vector<512x64xf32>
      %mul3A_380 = arith.mulf %add3A_363, %mul3A_379 : vector<512x64xf32>
      %get3A_381 = arith.constant 0 : index
      %get3A_382 = arith.constant 0 : index
      %get3A_383 = vector.load %arg11[%get3A_381, %get3A_382] : memref<64x64xf32, #tpu.memory_space<vmem>>, vector<64x64xf32>
      %dot_general3A_384 = arith.constant dense<0.000000e+00> : vector<512x64xf32>
      %dot_general3A_385 = tpu.matmul %mul3A_380, %get3A_383, %dot_general3A_384 {dimension_numbers = #tpu.dot_dimension_numbers<[1], [0], [0], [1], [0, 0, 1, 1], [], []>, transpose_lhs_hint = false} : vector<512x64xf32>, vector<64x64xf32>, vector<512x64xf32> -> vector<512x64xf32>
      %get3A_386 = arith.constant 0 : index
      %get3A_387 = arith.constant 0 : index
      %get3A_388 = vector.load %arg12[%get3A_386, %get3A_387] : memref<1x64xf32, #tpu.memory_space<vmem>>, vector<1x64xf32>
      %add3A_389 = vector.broadcast %get3A_388 : vector<1x64xf32> to vector<512x64xf32>
      %add3A_390 = arith.addf %dot_general3A_385, %add3A_389 : vector<512x64xf32>
      %integer_pow3A_391 = arith.mulf %add3A_390, %add3A_390 : vector<512x64xf32>
      %integer_pow3A_392 = arith.mulf %add3A_390, %integer_pow3A_391 : vector<512x64xf32>
      %mul3A_393 = arith.constant 4.471500e-02 : f32
      %mul3A_394 = vector.broadcast %mul3A_393 : f32 to vector<512x64xf32>
      %mul3A_395 = arith.mulf %mul3A_394, %integer_pow3A_392 : vector<512x64xf32>
      %add3A_396 = arith.addf %add3A_390, %mul3A_395 : vector<512x64xf32>
      %mul3A_397 = arith.constant 0.797884583 : f32
      %mul3A_398 = vector.broadcast %mul3A_397 : f32 to vector<512x64xf32>
      %mul3A_399 = arith.mulf %mul3A_398, %add3A_396 : vector<512x64xf32>
      %tanh3A_400 = math.tanh %mul3A_399 : vector<512x64xf32>
      %add3A_401 = arith.constant 1.000000e+00 : f32
      %add3A_402 = vector.broadcast %add3A_401 : f32 to vector<512x64xf32>
      %add3A_403 = arith.addf %add3A_402, %tanh3A_400 : vector<512x64xf32>
      %mul3A_404 = arith.constant 5.000000e-01 : f32
      %mul3A_405 = vector.broadcast %mul3A_404 : f32 to vector<512x64xf32>
      %mul3A_406 = arith.mulf %mul3A_405, %add3A_403 : vector<512x64xf32>
      %mul3A_407 = arith.mulf %add3A_390, %mul3A_406 : vector<512x64xf32>
      %get3A_408 = arith.constant 0 : index
      %get3A_409 = arith.constant 0 : index
      %get3A_410 = vector.load %arg13[%get3A_408, %get3A_409] : memref<64x64xf32, #tpu.memory_space<vmem>>, vector<64x64xf32>
      %dot_general3A_411 = arith.constant dense<0.000000e+00> : vector<512x64xf32>
      %dot_general3A_412 = tpu.matmul %mul3A_407, %get3A_410, %dot_general3A_411 {dimension_numbers = #tpu.dot_dimension_numbers<[1], [0], [0], [1], [0, 0, 1, 1], [], []>, transpose_lhs_hint = false} : vector<512x64xf32>, vector<64x64xf32>, vector<512x64xf32> -> vector<512x64xf32>
      %get3A_413 = arith.constant 0 : index
      %get3A_414 = arith.constant 0 : index
      %get3A_415 = vector.load %arg14[%get3A_413, %get3A_414] : memref<1x64xf32, #tpu.memory_space<vmem>>, vector<1x64xf32>
      %add3A_416 = vector.broadcast %get3A_415 : vector<1x64xf32> to vector<512x64xf32>
      %add3A_417 = arith.addf %dot_general3A_412, %add3A_416 : vector<512x64xf32>
      %mul3A_418 = vector.broadcast %exp3A : vector<512x1xf32> to vector<512x64xf32>
      %mul3A_419 = arith.mulf %mul3A_418, %add3A_417 : vector<512x64xf32>
      %slice3A_420 = vector.extract_strided_slice %squeeze3A_175 {offsets = [0, 2], sizes = [512, 16], strides = [1, 1]} : vector<512x128xf32> to vector<512x16xf32>
      %get3A_421 = arith.constant 0 : index
      %get3A_422 = arith.constant 0 : index
      %get3A_423 = vector.load %arg5[%get3A_421, %get3A_422] : memref<16x64xf32, #tpu.memory_space<vmem>>, vector<16x64xf32>
      %dot_general3A_424 = arith.constant dense<0.000000e+00> : vector<512x64xf32>
      %dot_general3A_425 = tpu.matmul %slice3A_420, %get3A_423, %dot_general3A_424 {dimension_numbers = #tpu.dot_dimension_numbers<[1], [0], [0], [1], [0, 0, 1, 1], [], []>, transpose_lhs_hint = false} : vector<512x16xf32>, vector<16x64xf32>, vector<512x64xf32> -> vector<512x64xf32>
      %get3A_426 = arith.constant 0 : index
      %get3A_427 = arith.constant 0 : index
      %get3A_428 = vector.load %arg6[%get3A_426, %get3A_427] : memref<1x64xf32, #tpu.memory_space<vmem>>, vector<1x64xf32>
      %add3A_429 = vector.broadcast %get3A_428 : vector<1x64xf32> to vector<512x64xf32>
      %add3A_430 = arith.addf %dot_general3A_425, %add3A_429 : vector<512x64xf32>
      %slice3A_431 = vector.extract_strided_slice %squeeze3A_175 {offsets = [0, 18], sizes = [512, 16], strides = [1, 1]} : vector<512x128xf32> to vector<512x16xf32>
      %get3A_432 = arith.constant 0 : index
      %get3A_433 = arith.constant 0 : index
      %get3A_434 = vector.load %arg5[%get3A_432, %get3A_433] : memref<16x64xf32, #tpu.memory_space<vmem>>, vector<16x64xf32>
      %dot_general3A_435 = arith.constant dense<0.000000e+00> : vector<512x64xf32>
      %dot_general3A_436 = tpu.matmul %slice3A_431, %get3A_434, %dot_general3A_435 {dimension_numbers = #tpu.dot_dimension_numbers<[1], [0], [0], [1], [0, 0, 1, 1], [], []>, transpose_lhs_hint = false} : vector<512x16xf32>, vector<16x64xf32>, vector<512x64xf32> -> vector<512x64xf32>
      %get3A_437 = arith.constant 0 : index
      %get3A_438 = arith.constant 0 : index
      %get3A_439 = vector.load %arg6[%get3A_437, %get3A_438] : memref<1x64xf32, #tpu.memory_space<vmem>>, vector<1x64xf32>
      %add3A_440 = vector.broadcast %get3A_439 : vector<1x64xf32> to vector<512x64xf32>
      %add3A_441 = arith.addf %dot_general3A_436, %add3A_440 : vector<512x64xf32>
      %get3A_442 = arith.constant 0 : index
      %get3A_443 = arith.constant 0 : index
      %get3A_444 = vector.load %arg23[%get3A_442, %get3A_443] : memref<128x64xf32, #tpu.memory_space<vmem>>, vector<128x64xf32>
      %mul3A_445 = vector.broadcast %transpose3A_327 : vector<128x1xf32> to vector<128x64xf32>
      %mul3A_446 = arith.mulf %get3A_444, %mul3A_445 : vector<128x64xf32>
      %mul3A_447 = arith.mulf %mul3A_419, %add3A_430 : vector<512x64xf32>
      %dot_general3A_448 = arith.constant dense<0.000000e+00> : vector<128x64xf32>
      %dot_general3A_449 = tpu.matmul %convert_element_type3A_178, %mul3A_447, %dot_general3A_448 {dimension_numbers = #tpu.dot_dimension_numbers<[0], [0], [1], [1], [0, 1, 1, 1], [], []>, transpose_lhs_hint = false} : vector<512x128xf32>, vector<512x64xf32>, vector<128x64xf32> -> vector<128x64xf32>
      %add3A_450 = arith.addf %mul3A_446, %dot_general3A_449 : vector<128x64xf32>
      %swap3A_451 = arith.constant 0 : index
      %swap3A_452 = arith.constant 0 : index
      %swap3A_453 = vector.load %arg23[%swap3A_451, %swap3A_452] : memref<128x64xf32, #tpu.memory_space<vmem>>, vector<128x64xf32>
      tpu.vector_store %arg23[%swap3A_451, %swap3A_452], %add3A_450 {strides = array<i32>} : memref<128x64xf32, #tpu.memory_space<vmem>>, vector<128x64xf32>,
      %get3A_454 = arith.constant 0 : index
      %get3A_455 = arith.constant 0 : index
      %get3A_456 = vector.load %arg24[%get3A_454, %get3A_455] : memref<128x64xf32, #tpu.memory_space<vmem>>, vector<128x64xf32>
      %mul3A_457 = vector.broadcast %transpose3A_327 : vector<128x1xf32> to vector<128x64xf32>
      %mul3A_458 = arith.mulf %get3A_456, %mul3A_457 : vector<128x64xf32>
      %mul3A_459 = arith.mulf %mul3A_419, %add3A_441 : vector<512x64xf32>
      %dot_general3A_460 = arith.constant dense<0.000000e+00> : vector<128x64xf32>
      %dot_general3A_461 = tpu.matmul %convert_element_type3A_178, %mul3A_459, %dot_general3A_460 {dimension_numbers = #tpu.dot_dimension_numbers<[0], [0], [1], [1], [0, 1, 1, 1], [], []>, transpose_lhs_hint = false} : vector<512x128xf32>, vector<512x64xf32>, vector<128x64xf32> -> vector<128x64xf32>
      %add3A_462 = arith.addf %mul3A_458, %dot_general3A_461 : vector<128x64xf32>
      %swap3A_463 = arith.constant 0 : index
      %swap3A_464 = arith.constant 0 : index
      %swap3A_465 = vector.load %arg24[%swap3A_463, %swap3A_464] : memref<128x64xf32, #tpu.memory_space<vmem>>, vector<128x64xf32>
      tpu.vector_store %arg24[%swap3A_463, %swap3A_464], %add3A_462 {strides = array<i32>} : memref<128x64xf32, #tpu.memory_space<vmem>>, vector<128x64xf32>,
      %broadcast_in_dim3A_466 = arith.constant 0.000000e+00 : f32
      %broadcast_in_dim3A_467 = vector.broadcast %broadcast_in_dim3A_466 : f32 to vector<512x5xf32>
      %broadcast_in_dim3A_468 = arith.constant 0.000000e+00 : f32
      %broadcast_in_dim3A_469 = vector.broadcast %broadcast_in_dim3A_468 : f32 to vector<512x2xf32>
      %concatenate3A_470 = tpu.concatenate %broadcast_in_dim3A_467, %exp3A, %broadcast_in_dim3A_469 in 1 : vector<512x5xf32>, vector<512x1xf32>, vector<512x2xf32> -> vector<512x8xf32>
      %get3A_471 = arith.constant 0 : index
      %get3A_472 = arith.constant 0 : index
      %get3A_473 = vector.load %arg25[%get3A_471, %get3A_472] : memref<128x8xf32, #tpu.memory_space<vmem>>, vector<128x8xf32>
      %mul3A_474 = vector.broadcast %transpose3A_327 : vector<128x1xf32> to vector<128x8xf32>
      %mul3A_475 = arith.mulf %get3A_473, %mul3A_474 : vector<128x8xf32>
      %dot_general3A_476 = arith.constant dense<0.000000e+00> : vector<128x8xf32>
      %dot_general3A_477 = tpu.matmul %convert_element_type3A_178, %concatenate3A_470, %dot_general3A_476 {dimension_numbers = #tpu.dot_dimension_numbers<[0], [0], [1], [1], [0, 1, 1, 1], [], []>, transpose_lhs_hint = false} : vector<512x128xf32>, vector<512x8xf32>, vector<128x8xf32> -> vector<128x8xf32>
      %add3A_478 = arith.addf %mul3A_475, %dot_general3A_477 : vector<128x8xf32>
      %swap3A_479 = arith.constant 0 : index
      %swap3A_480 = arith.constant 0 : index
      %swap3A_481 = vector.load %arg25[%swap3A_479, %swap3A_480] : memref<128x8xf32, #tpu.memory_space<vmem>>, vector<128x8xf32>
      tpu.vector_store %arg25[%swap3A_479, %swap3A_480], %add3A_478 {strides = array<i32>} : memref<128x8xf32, #tpu.memory_space<vmem>>, vector<128x8xf32>,
    }
    %get3A_62 = arith.constant 0 : index
    %get3A_63 = arith.constant 5 : index
    %get3A_64 = vector.load %arg25[%get3A_62, %get3A_63] : memref<128x8xf32, #tpu.memory_space<vmem>>, vector<128x1xf32>
    %add3A_65 = arith.constant 9.99999993E-9 : f32
    %add3A_66 = vector.broadcast %add3A_65 : f32 to vector<128x1xf32>
    %add3A_67 = arith.addf %get3A_64, %add3A_66 : vector<128x1xf32>
    %get3A_68 = arith.constant 0 : index
    %get3A_69 = arith.constant 0 : index
    %get3A_70 = vector.load %arg23[%get3A_68, %get3A_69] : memref<128x64xf32, #tpu.memory_space<vmem>>, vector<128x64xf32>
    %div3A_71 = vector.broadcast %add3A_67 : vector<128x1xf32> to vector<128x64xf32>
    %div3A_72 = arith.divf %get3A_70, %div3A_71 : vector<128x64xf32>
    %swap3A_73 = arith.constant 0 : index
    %swap3A_74 = arith.constant 0 : index
    %swap3A_75 = arith.constant 0 : index
    %swap3A_76 = vector.load %arg15[%swap3A_73, %swap3A_74, %swap3A_75] : memref<2x128x64xf32, #tpu.memory_space<vmem>>, vector<1x128x64xf32>
    %swap3A_77 = vector.shape_cast %swap3A_76 : vector<1x128x64xf32> to vector<128x64xf32>
    %swap3A_78 = vector.shape_cast %div3A_72 : vector<128x64xf32> to vector<1x128x64xf32>
    tpu.vector_store %arg15[%swap3A_73, %swap3A_74, %swap3A_75], %swap3A_78 {strides = array<i32>} : memref<2x128x64xf32, #tpu.memory_space<vmem>>, vector<1x128x64xf32>,
    %get3A_79 = arith.constant 0 : index
    %get3A_80 = arith.constant 0 : index
    %get3A_81 = vector.load %arg24[%get3A_79, %get3A_80] : memref<128x64xf32, #tpu.memory_space<vmem>>, vector<128x64xf32>
    %div3A_82 = vector.broadcast %add3A_67 : vector<128x1xf32> to vector<128x64xf32>
    %div3A_83 = arith.divf %get3A_81, %div3A_82 : vector<128x64xf32>
    %swap3A_84 = arith.constant 1 : index
    %swap3A_85 = arith.constant 0 : index
    %swap3A_86 = arith.constant 0 : index
    %swap3A_87 = vector.load %arg15[%swap3A_84, %swap3A_85, %swap3A_86] : memref<2x128x64xf32, #tpu.memory_space<vmem>>, vector<1x128x64xf32>
    %swap3A_88 = vector.shape_cast %swap3A_87 : vector<1x128x64xf32> to vector<128x64xf32>
    %swap3A_89 = vector.shape_cast %div3A_83 : vector<128x64xf32> to vector<1x128x64xf32>
    tpu.vector_store %arg15[%swap3A_84, %swap3A_85, %swap3A_86], %swap3A_89 {strides = array<i32>} : memref<2x128x64xf32, #tpu.memory_space<vmem>>, vector<1x128x64xf32>,
    %get3A_90 = arith.constant 0 : index
    %get3A_91 = arith.constant 4 : index
    %get3A_92 = vector.load %arg21[%get3A_90, %get3A_91] : memref<128x8xf32, #tpu.memory_space<vmem>>, vector<128x1xf32>
    %max3A = arith.constant 1.000000e+00 : f32
    %max3A_93 = vector.broadcast %max3A : f32 to vector<128x1xf32>
    %max3A_94 = arith.maximumf %get3A_92, %max3A_93 : vector<128x1xf32>
    %get3A_95 = arith.constant 0 : index
    %get3A_96 = arith.constant 0 : index
    %get3A_97 = vector.load %arg21[%get3A_95, %get3A_96] : memref<128x8xf32, #tpu.memory_space<vmem>>, vector<128x2xf32>
    %div3A_98 = vector.broadcast %max3A_94 : vector<128x1xf32> to vector<128x2xf32>
    %div3A_99 = arith.divf %get3A_97, %div3A_98 : vector<128x2xf32>
    %get3A_100 = arith.constant 0 : index
    %get3A_101 = arith.constant 2 : index
    %get3A_102 = vector.load %arg21[%get3A_100, %get3A_101] : memref<128x8xf32, #tpu.memory_space<vmem>>, vector<128x2xf32>
    %div3A_103 = vector.broadcast %max3A_94 : vector<128x1xf32> to vector<128x2xf32>
    %div3A_104 = arith.divf %get3A_102, %div3A_103 : vector<128x2xf32>
    %mul3A_105 = arith.mulf %div3A_99, %div3A_99 : vector<128x2xf32>
    %sub3A_106 = arith.subf %div3A_104, %mul3A_105 : vector<128x2xf32>
    %max3A_107 = arith.constant 0.000000e+00 : f32
    %max3A_108 = vector.broadcast %max3A_107 : f32 to vector<128x2xf32>
    %max3A_109 = arith.maximumf %sub3A_106, %max3A_108 : vector<128x2xf32>
    %add3A_110 = arith.constant 9.99999993E-9 : f32
    %add3A_111 = vector.broadcast %add3A_110 : f32 to vector<128x2xf32>
    %add3A_112 = arith.addf %max3A_109, %add3A_111 : vector<128x2xf32>
    %sqrt3A = math.sqrt %add3A_112 : vector<128x2xf32>
    %get3A_113 = arith.constant 1 : index
    %get3A_114 = arith.constant 0 : index
    %get3A_115 = vector.load %arg22[%get3A_113, %get3A_114] : memref<8x128xf32, #tpu.memory_space<vmem>>, vector<2x128xf32>
    %transpose3A = tpu.transpose %get3A_115, [1, 0] : vector<2x128xf32> -> vector<128x2xf32>
    %get3A_116 = arith.constant 3 : index
    %get3A_117 = arith.constant 0 : index
    %get3A_118 = vector.load %arg22[%get3A_116, %get3A_117] : memref<8x128xf32, #tpu.memory_space<vmem>>, vector<2x128xf32>
    %transpose3A_119 = tpu.transpose %get3A_118, [1, 0] : vector<2x128xf32> -> vector<128x2xf32>
    %gt3A_120 = arith.constant -5.000000e+29 : f32
    %gt3A_121 = vector.broadcast %gt3A_120 : f32 to vector<128x2xf32>
    %gt3A_122 = arith.cmpf ogt, %transpose3A, %gt3A_121 : vector<128x2xf32>
    %jit3A_123 = arith.constant 0.000000e+00 : f32
    %broadcast_in_dim3A_124 = vector.broadcast %jit3A_123 : f32 to vector<128x2xf32>
    %select_n3A_125 = arith.select %gt3A_122, %transpose3A, %broadcast_in_dim3A_124 : vector<128x2xi1>, vector<128x2xf32>
    %gt3A_126 = arith.constant -5.000000e+29 : f32
    %gt3A_127 = vector.broadcast %gt3A_126 : f32 to vector<128x2xf32>
    %gt3A_128 = arith.cmpf ogt, %transpose3A_119, %gt3A_127 : vector<128x2xf32>
    %neg3A = arith.constant 0.000000e+00 : f32
    %neg3A_129 = vector.broadcast %neg3A : f32 to vector<128x2xf32>
    %neg3A_130 = arith.subf %neg3A_129, %transpose3A_119 : vector<128x2xf32>
    %jit3A_131 = arith.constant 0.000000e+00 : f32
    %broadcast_in_dim3A_132 = vector.broadcast %jit3A_131 : f32 to vector<128x2xf32>
    %select_n3A_133 = arith.select %gt3A_128, %neg3A_130, %broadcast_in_dim3A_132 : vector<128x2xi1>, vector<128x2xf32>
    %broadcast_in_dim3A_134 = arith.constant 0.000000e+00 : f32
    %broadcast_in_dim3A_135 = vector.broadcast %broadcast_in_dim3A_134 : f32 to vector<128x7xf32>
    %concatenate3A = tpu.concatenate %div3A_99, %sqrt3A, %select_n3A_125, %select_n3A_133, %get3A_92, %broadcast_in_dim3A_135 in 1 : vector<128x2xf32>, vector<128x2xf32>, vector<128x2xf32>, vector<128x2xf32>, vector<128x1xf32>, vector<128x7xf32> -> vector<128x16xf32>
    %swap3A_136 = arith.constant 0 : index
    %swap3A_137 = arith.constant 0 : index
    %swap3A_138 = vector.load %arg16[%swap3A_136, %swap3A_137] : memref<128x16xf32, #tpu.memory_space<vmem>>, vector<128x16xf32>
    tpu.vector_store %arg16[%swap3A_136, %swap3A_137], %concatenate3A {strides = array<i32>} : memref<128x16xf32, #tpu.memory_space<vmem>>, vector<128x16xf32>,
    return
  }
  func.func @transform_2(%arg0: i32, %arg1: memref<33xi32, #tpu.memory_space<smem>>) -> (i32, i32) {
    %c0_i32 = arith.constant 0 : i32
    %c0_i32_0 = arith.constant 0 : i32
    return %arg0, %c0_i32 : i32, i32
  }
  func.func @transform_3(%arg0: i32, %arg1: memref<33xi32, #tpu.memory_space<smem>>) -> (i32, i32) {
    %c0_i32 = arith.constant 0 : i32
    %c0_i32_0 = arith.constant 0 : i32
    %c0_i32_1 = arith.constant 0 : i32
    return %c0_i32, %c0_i32_0 : i32, i32
  }
  func.func @transform_4(%arg0: i32, %arg1: memref<33xi32, #tpu.memory_space<smem>>) -> (i32, i32) {
    %c0_i32 = arith.constant 0 : i32
    %c0_i32_0 = arith.constant 0 : i32
    %c0_i32_1 = arith.constant 0 : i32
    return %c0_i32, %c0_i32_0 : i32, i32
  }
  func.func @transform_5(%arg0: i32, %arg1: memref<33xi32, #tpu.memory_space<smem>>) -> (i32, i32) {
    %c0_i32 = arith.constant 0 : i32
    %c0_i32_0 = arith.constant 0 : i32
    %c0_i32_1 = arith.constant 0 : i32
    return %c0_i32, %c0_i32_0 : i32, i32
  }
  func.func @transform_6(%arg0: i32, %arg1: memref<33xi32, #tpu.memory_space<smem>>) -> (i32, i32) {
    %c0_i32 = arith.constant 0 : i32
    %c0_i32_0 = arith.constant 0 : i32
    %c0_i32_1 = arith.constant 0 : i32
    return %c0_i32, %c0_i32_0 : i32, i32
  }
  func.func @transform_7(%arg0: i32, %arg1: memref<33xi32, #tpu.memory_space<smem>>) -> (i32, i32) {
    %c0_i32 = arith.constant 0 : i32
    %c0_i32_0 = arith.constant 0 : i32
    %c0_i32_1 = arith.constant 0 : i32
    return %c0_i32, %c0_i32_0 : i32, i32
  }
  func.func @transform_8(%arg0: i32, %arg1: memref<33xi32, #tpu.memory_space<smem>>) -> (i32, i32) {
    %c0_i32 = arith.constant 0 : i32
    %c0_i32_0 = arith.constant 0 : i32
    %c0_i32_1 = arith.constant 0 : i32
    return %c0_i32, %c0_i32_0 : i32, i32
  }
  func.func @transform_9(%arg0: i32, %arg1: memref<33xi32, #tpu.memory_space<smem>>) -> (i32, i32) {
    %c0_i32 = arith.constant 0 : i32
    %c0_i32_0 = arith.constant 0 : i32
    %c0_i32_1 = arith.constant 0 : i32
    return %c0_i32, %c0_i32_0 : i32, i32
  }
  func.func @transform_10(%arg0: i32, %arg1: memref<33xi32, #tpu.memory_space<smem>>) -> (i32, i32) {
    %c0_i32 = arith.constant 0 : i32
    %c0_i32_0 = arith.constant 0 : i32
    %c0_i32_1 = arith.constant 0 : i32
    return %c0_i32, %c0_i32_0 : i32, i32
  }
  func.func @transform_11(%arg0: i32, %arg1: memref<33xi32, #tpu.memory_space<smem>>) -> (i32, i32) {
    %c0_i32 = arith.constant 0 : i32
    %c0_i32_0 = arith.constant 0 : i32
    %c0_i32_1 = arith.constant 0 : i32
    return %c0_i32, %c0_i32_0 : i32, i32
  }
  func.func @transform_12(%arg0: i32, %arg1: memref<33xi32, #tpu.memory_space<smem>>) -> (i32, i32) {
    %c0_i32 = arith.constant 0 : i32
    %c0_i32_0 = arith.constant 0 : i32
    %c0_i32_1 = arith.constant 0 : i32
    return %c0_i32, %c0_i32_0 : i32, i32
  }
  func.func @transform_13(%arg0: i32, %arg1: memref<33xi32, #tpu.memory_space<smem>>) -> (i32, i32, i32) {
    %c0_i32 = arith.constant 0 : i32
    %c0_i32_0 = arith.constant 0 : i32
    %c0_i32_1 = arith.constant 0 : i32
    return %c0_i32, %arg0, %c0_i32_0 : i32, i32, i32
  }
  func.func @transform_14(%arg0: i32, %arg1: memref<33xi32, #tpu.memory_space<smem>>) -> (i32, i32) {
    %c0_i32 = arith.constant 0 : i32
    %c0_i32_0 = arith.constant 0 : i32
    return %arg0, %c0_i32 : i32, i32
  }
}

module attributes {stable_mosaic.version = 14 : i64} {
  func.func @body(%arg0: memref<2x4096x64xf32, #tpu.memory_space<vmem>>, %arg1: memref<4096x16xf32, #tpu.memory_space<vmem>>, %arg2: memref<16x64xf32, #tpu.memory_space<vmem>>, %arg3: memref<1x64xf32, #tpu.memory_space<vmem>>, %arg4: memref<64x64xf32, #tpu.memory_space<vmem>>, %arg5: memref<1x64xf32, #tpu.memory_space<vmem>>, %arg6: memref<64x64xf32, #tpu.memory_space<vmem>>, %arg7: memref<64x64xf32, #tpu.memory_space<vmem>>, %arg8: memref<1x64xf32, #tpu.memory_space<vmem>>, %arg9: memref<2x4096x64xf32, #tpu.memory_space<vmem>>) attributes {dimension_semantics = [], scalar_prefetch = 0 : i64, scratch_operands = 0 : i64, tpu.core_type = #tpu.core_type<tc>} {
    %get3A = arith.constant 0 : index
    %get3A_0 = arith.constant 0 : index
    %get3A_1 = vector.load %arg1[%get3A, %get3A_0] : memref<4096x16xf32, #tpu.memory_space<vmem>>, vector<4096x16xf32>
    %slice3A = vector.extract_strided_slice %get3A_1 {offsets = [0, 8], sizes = [4096, 1], strides = [1, 1]} : vector<4096x16xf32> to vector<4096x1xf32>
    %reduce_max3A = vector.shape_cast %slice3A : vector<4096x1xf32> to vector<1x4096x1xf32>
    %reduce_max3A_2 = arith.constant dense<0xFF800000> : vector<1xf32>
    %reduce_max3A_3 = vector.multi_reduction <maximumf>, %reduce_max3A, %reduce_max3A_2 [1, 2] : vector<1x4096x1xf32> to vector<1xf32>
    %reduce_max3A_4 = vector.shape_cast %reduce_max3A_3 : vector<1xf32> to vector<1x1x1xf32>
    %reduce_max3A_5 = vector.extract %reduce_max3A_4[0, 0, 0] : f32 from vector<1x1x1xf32>
    %max3A = arith.constant 1.000000e+00 : f32
    %max3A_6 = arith.maximumf %reduce_max3A_5, %max3A : f32
    %slice3A_7 = vector.extract_strided_slice %get3A_1 {offsets = [0, 0], sizes = [4096, 8], strides = [1, 1]} : vector<4096x16xf32> to vector<4096x8xf32>
    %div3A = vector.broadcast %max3A_6 : f32 to vector<4096x1xf32>
    %div3A_8 = arith.divf %slice3A, %div3A : vector<4096x1xf32>
    %broadcast_in_dim3A = arith.constant 0.000000e+00 : f32
    %broadcast_in_dim3A_9 = vector.broadcast %broadcast_in_dim3A : f32 to vector<4096x7xf32>
    %concatenate3A = tpu.concatenate %slice3A_7, %div3A_8, %broadcast_in_dim3A_9 in 1 : vector<4096x8xf32>, vector<4096x1xf32>, vector<4096x7xf32> -> vector<4096x16xf32>
    %get3A_10 = arith.constant 0 : index
    %get3A_11 = arith.constant 0 : index
    %get3A_12 = vector.load %arg2[%get3A_10, %get3A_11] : memref<16x64xf32, #tpu.memory_space<vmem>>, vector<16x64xf32>
    %dot_general3A = arith.constant dense<0.000000e+00> : vector<4096x64xf32>
    %dot_general3A_13 = tpu.matmul %concatenate3A, %get3A_12, %dot_general3A {dimension_numbers = #tpu.dot_dimension_numbers<[1], [0], [0], [1], [0, 0, 1, 1], [], []>, transpose_lhs_hint = false} : vector<4096x16xf32>, vector<16x64xf32>, vector<4096x64xf32> -> vector<4096x64xf32>
    %get3A_14 = arith.constant 0 : index
    %get3A_15 = arith.constant 0 : index
    %get3A_16 = vector.load %arg3[%get3A_14, %get3A_15] : memref<1x64xf32, #tpu.memory_space<vmem>>, vector<1x64xf32>
    %add3A = vector.broadcast %get3A_16 : vector<1x64xf32> to vector<4096x64xf32>
    %add3A_17 = arith.addf %dot_general3A_13, %add3A : vector<4096x64xf32>
    %integer_pow3A = arith.mulf %add3A_17, %add3A_17 : vector<4096x64xf32>
    %integer_pow3A_18 = arith.mulf %add3A_17, %integer_pow3A : vector<4096x64xf32>
    %mul3A = arith.constant 4.471500e-02 : f32
    %mul3A_19 = vector.broadcast %mul3A : f32 to vector<4096x64xf32>
    %mul3A_20 = arith.mulf %mul3A_19, %integer_pow3A_18 : vector<4096x64xf32>
    %add3A_21 = arith.addf %add3A_17, %mul3A_20 : vector<4096x64xf32>
    %mul3A_22 = arith.constant 0.797884583 : f32
    %mul3A_23 = vector.broadcast %mul3A_22 : f32 to vector<4096x64xf32>
    %mul3A_24 = arith.mulf %mul3A_23, %add3A_21 : vector<4096x64xf32>
    %tanh3A = math.tanh %mul3A_24 : vector<4096x64xf32>
    %add3A_25 = arith.constant 1.000000e+00 : f32
    %add3A_26 = vector.broadcast %add3A_25 : f32 to vector<4096x64xf32>
    %add3A_27 = arith.addf %add3A_26, %tanh3A : vector<4096x64xf32>
    %mul3A_28 = arith.constant 5.000000e-01 : f32
    %mul3A_29 = vector.broadcast %mul3A_28 : f32 to vector<4096x64xf32>
    %mul3A_30 = arith.mulf %mul3A_29, %add3A_27 : vector<4096x64xf32>
    %mul3A_31 = arith.mulf %add3A_17, %mul3A_30 : vector<4096x64xf32>
    %get3A_32 = arith.constant 0 : index
    %get3A_33 = arith.constant 0 : index
    %get3A_34 = vector.load %arg4[%get3A_32, %get3A_33] : memref<64x64xf32, #tpu.memory_space<vmem>>, vector<64x64xf32>
    %dot_general3A_35 = arith.constant dense<0.000000e+00> : vector<4096x64xf32>
    %dot_general3A_36 = tpu.matmul %mul3A_31, %get3A_34, %dot_general3A_35 {dimension_numbers = #tpu.dot_dimension_numbers<[1], [0], [0], [1], [0, 0, 1, 1], [], []>, transpose_lhs_hint = false} : vector<4096x64xf32>, vector<64x64xf32>, vector<4096x64xf32> -> vector<4096x64xf32>
    %get3A_37 = arith.constant 0 : index
    %get3A_38 = arith.constant 0 : index
    %get3A_39 = vector.load %arg5[%get3A_37, %get3A_38] : memref<1x64xf32, #tpu.memory_space<vmem>>, vector<1x64xf32>
    %add3A_40 = vector.broadcast %get3A_39 : vector<1x64xf32> to vector<4096x64xf32>
    %add3A_41 = arith.addf %dot_general3A_36, %add3A_40 : vector<4096x64xf32>
    %get3A_42 = arith.constant 0 : index
    %get3A_43 = arith.constant 0 : index
    %get3A_44 = vector.load %arg7[%get3A_42, %get3A_43] : memref<64x64xf32, #tpu.memory_space<vmem>>, vector<64x64xf32>
    %dot_general3A_45 = arith.constant dense<0.000000e+00> : vector<4096x64xf32>
    %dot_general3A_46 = tpu.matmul %add3A_41, %get3A_44, %dot_general3A_45 {dimension_numbers = #tpu.dot_dimension_numbers<[1], [0], [0], [1], [0, 0, 1, 1], [], []>, transpose_lhs_hint = false} : vector<4096x64xf32>, vector<64x64xf32>, vector<4096x64xf32> -> vector<4096x64xf32>
    %get3A_47 = arith.constant 0 : index
    %get3A_48 = arith.constant 0 : index
    %get3A_49 = vector.load %arg8[%get3A_47, %get3A_48] : memref<1x64xf32, #tpu.memory_space<vmem>>, vector<1x64xf32>
    %add3A_50 = vector.broadcast %get3A_49 : vector<1x64xf32> to vector<4096x64xf32>
    %add3A_51 = arith.addf %dot_general3A_46, %add3A_50 : vector<4096x64xf32>
    %get3A_52 = arith.constant 0 : index
    %get3A_53 = arith.constant 0 : index
    %get3A_54 = arith.constant 0 : index
    %get3A_55 = vector.load %arg0[%get3A_52, %get3A_53, %get3A_54] : memref<2x4096x64xf32, #tpu.memory_space<vmem>>, vector<1x4096x64xf32>
    %get3A_56 = vector.shape_cast %get3A_55 : vector<1x4096x64xf32> to vector<4096x64xf32>
    %get3A_57 = arith.constant 0 : index
    %get3A_58 = arith.constant 0 : index
    %get3A_59 = vector.load %arg6[%get3A_57, %get3A_58] : memref<64x64xf32, #tpu.memory_space<vmem>>, vector<64x64xf32>
    %dot_general3A_60 = arith.constant dense<0.000000e+00> : vector<4096x64xf32>
    %dot_general3A_61 = tpu.matmul %get3A_56, %get3A_59, %dot_general3A_60 {dimension_numbers = #tpu.dot_dimension_numbers<[1], [0], [0], [1], [0, 0, 1, 1], [], []>, transpose_lhs_hint = false} : vector<4096x64xf32>, vector<64x64xf32>, vector<4096x64xf32> -> vector<4096x64xf32>
    %add3A_62 = arith.addf %dot_general3A_61, %add3A_51 : vector<4096x64xf32>
    %swap3A = arith.constant 0 : index
    %swap3A_63 = arith.constant 0 : index
    %swap3A_64 = arith.constant 0 : index
    %swap3A_65 = vector.load %arg9[%swap3A, %swap3A_63, %swap3A_64] : memref<2x4096x64xf32, #tpu.memory_space<vmem>>, vector<1x4096x64xf32>
    %swap3A_66 = vector.shape_cast %swap3A_65 : vector<1x4096x64xf32> to vector<4096x64xf32>
    %swap3A_67 = vector.shape_cast %add3A_62 : vector<4096x64xf32> to vector<1x4096x64xf32>
    tpu.vector_store %arg9[%swap3A, %swap3A_63, %swap3A_64], %swap3A_67 {strides = array<i32>} : memref<2x4096x64xf32, #tpu.memory_space<vmem>>, vector<1x4096x64xf32>,
    %get3A_68 = arith.constant 1 : index
    %get3A_69 = arith.constant 0 : index
    %get3A_70 = arith.constant 0 : index
    %get3A_71 = vector.load %arg0[%get3A_68, %get3A_69, %get3A_70] : memref<2x4096x64xf32, #tpu.memory_space<vmem>>, vector<1x4096x64xf32>
    %get3A_72 = vector.shape_cast %get3A_71 : vector<1x4096x64xf32> to vector<4096x64xf32>
    %get3A_73 = arith.constant 0 : index
    %get3A_74 = arith.constant 0 : index
    %get3A_75 = vector.load %arg6[%get3A_73, %get3A_74] : memref<64x64xf32, #tpu.memory_space<vmem>>, vector<64x64xf32>
    %dot_general3A_76 = arith.constant dense<0.000000e+00> : vector<4096x64xf32>
    %dot_general3A_77 = tpu.matmul %get3A_72, %get3A_75, %dot_general3A_76 {dimension_numbers = #tpu.dot_dimension_numbers<[1], [0], [0], [1], [0, 0, 1, 1], [], []>, transpose_lhs_hint = false} : vector<4096x64xf32>, vector<64x64xf32>, vector<4096x64xf32> -> vector<4096x64xf32>
    %add3A_78 = arith.addf %dot_general3A_77, %add3A_51 : vector<4096x64xf32>
    %swap3A_79 = arith.constant 1 : index
    %swap3A_80 = arith.constant 0 : index
    %swap3A_81 = arith.constant 0 : index
    %swap3A_82 = vector.load %arg9[%swap3A_79, %swap3A_80, %swap3A_81] : memref<2x4096x64xf32, #tpu.memory_space<vmem>>, vector<1x4096x64xf32>
    %swap3A_83 = vector.shape_cast %swap3A_82 : vector<1x4096x64xf32> to vector<4096x64xf32>
    %swap3A_84 = vector.shape_cast %add3A_78 : vector<4096x64xf32> to vector<1x4096x64xf32>
    tpu.vector_store %arg9[%swap3A_79, %swap3A_80, %swap3A_81], %swap3A_84 {strides = array<i32>} : memref<2x4096x64xf32, #tpu.memory_space<vmem>>, vector<1x4096x64xf32>,
    return
  }
}

</mosaic_0001>

<sc_bundles>
// kernel: kernel.5.cloned.1.call-start
scs
__scs_entry_jumppad:
0x0: {  	(pc) =	sbr.rel $0x88, $3  }
0x1: {  	(tag) =	ssettag $0x0;
	lr =	simm.s32 $0x1  }
0x2: {  	[smem:$0x3F8C] =	sst lr;
	_ =	strace $0xD0000000  }
0x3: {  	_ = 	snop  }
0x4: {  	_ = 	snop  }
0x5: {  	_ = 	snop  }
0x6: {  	_ = 	snop  }
0x7: {  	_ = 	snop  }
__scs_overlays_trampoline_lowered:
0x8: {  	[smem:$0x3F9B] =	sst s0  }
0x9: {  	[smem:$0x3F9C] =	sst s1  }
0xa: {  	[smem:$0x3F9D] =	sst s2  }
0xb: {  	[smem:$0x3F9E] =	sst s3  }
0xc: {  	[smem:$0x3F9F] =	sst s4  }
0xd: {  	[smem:$0x3FA0] =	sst s5  }
0xe: {  	[smem:$0x3FA1] =	sst s6  }
0xf: {  	[smem:$0x3FA2] =	sst s7  }
0x10: {  	[smem:$0x3FA3] =	sst s8  }
0x11: {  	[smem:$0x3FA4] =	sst s9;
	s0 =	simm.s32 @!p0 $0x0  }
0x12: {  	s1 =	sld [smem:$0x3F8A];
	s0 =	simm.s32 @p0 $0x1  }
0x13: {  	[smem:$0x3FA5] =	sst s0;
	s0 =	simm.s32 @!p1 $0x0  }
0x14: {  	s2 =	sld [smem:$0x3F89];
	s0 =	simm.s32 @p1 $0x1  }
0x15: {  	[smem:$0x3FA6] =	sst s0;
	s0 =	simm.s32 @!p2 $0x0  }
0x16: {  	s3 =	sld [smem:$0x3FDB];
	s0 =	simm.s32 @p2 $0x1  }
0x17: {  	s4 =	simm.s32 $0x1BF5;
	[smem:$0x3FA8] =	sst s0  }
0x18: {  	s0 =	sld [smem:$0x3F8B];
	_ =	swait.ge [sflag:s4], $0x0  }
0x19: {  	s7 =	sld [smem:$0x3F8C]  }
0x1a: {  	s8 =	sadd.s32 $0xFFFFE003, lr  }
0x1b: {  	s9 =	sadd.s32 $0xFFFFFEF7, lr;
	s5 =	simm.s32 $0xFFFFFFFF;
	p2 =	slt.u32 s8, $0xFFFFF086  }
0x1c: {  	p1 =	slt.u32 s9, $0xF7A;
	s5 =	simm.s32 @!p2 $0x0  }
0x1d: {  	s5 =	simm.s32 @p1 $0x1;
	p0 =	seq.s32 s7, s2  }
0x1e: {  	s7 =	smul.u32 @!p0 $0xF7A, s2;
	p2 =	seq.s32 @!p0 s5, $0x0  }
0x1f: {  	s9 =	smul.u32 $0xF7A, s1;
	s8 =	simm.s32 @!p0 $0x1BF5;
	p2 =	por !p2, p0  }
0x20: {  	[sflag:s8] =	ssyncset.s32 @!p0 $0xFFFFF086;
	s6 =	sadd.s32 @!p0 s3, s7;
	s7 =	simm.s32 @!p0 $0x108  }
0x21: {  	s3 =	sadd.s32 s3, s9;
	s6 =	sadd.s32 @!p0 $0x88, s6;
	s7 =	simm.s32 @p2 $0x1082  }
0x22: {  	[simem:s7], [sflag:s8] =	dma.local @!p0 [hbm:s6], $0xF7A  }
0x23: {  	s9 =	sor.u32 $0xD0000000, s2;
	s6 =	simm.s32 $0x108;
	_ =	swait.ge @!p0 [sflag:s8], $0x0  }
0x24: {  	s3 =	sadd.s32 $0x88, s3;
	s6 =	simm.s32 @!p1 $0x1082;
	[sflag:s4] =	ssyncset.s32 $0xFFFFF086  }
0x25: {  	[simem:s6], [sflag:s4] =	dma.local [hbm:s3], $0xF7A  }
0x26: {  	[smem:$0x3F8C] =	sst s1;
	(tag) =	ssettag s2;
	_ =	strace s9  }
0x27: {  	s1 =	sld [smem:$0x3F9C]  }
0x28: {  	s2 =	sld [smem:$0x3F9D]  }
0x29: {  	s4 =	sld [smem:$0x3F9F]  }
0x2a: {  	p0 =	seq.s32 s5, $0x0;
	s5 =	sld [smem:$0x3FA0]  }
0x2b: {  	s6 =	sld [smem:$0x3FA1]  }
0x2c: {  	s7 =	sld [smem:$0x3FA2]  }
0x2d: {  	s3 =	simm.s32 $0x108;
	s8 =	sld [smem:$0x3FA3]  }
0x2e: {  	s3 =	simm.s32 @!p0 $0x1082;
	s9 =	sld [smem:$0x3FA4]  }
0x2f: {  	lr =	sadd.s32 s0, s3;
	s0 =	sld [smem:$0x3F9B]  }
0x30: {  	s3 =	sld [smem:$0x3F9E]  }
0x31: {  	[smem:$0x3FA7] =	sst s10  }
0x32: {  	s10 =	sld [smem:$0x3FA5];
	_ =	sdelay $0x3  }
0x33: {  	p0 =	seq.s32 s10, $0x1;
	s10 =	sld [smem:$0x3FA7];
	_ =	sdelay $0x3  }
0x34: {  	[smem:$0x3FA7] =	sst s10  }
0x35: {  	s10 =	sld [smem:$0x3FA6];
	_ =	sdelay $0x3  }
0x36: {  	p1 =	seq.s32 s10, $0x1;
	s10 =	sld [smem:$0x3FA7];
	_ =	sdelay $0x3  }
0x37: {  	[smem:$0x3FA7] =	sst s10  }
0x38: {  	s10 =	sld [smem:$0x3FA8]  }
0x39: {  	_ = 	snop;
	(pc) =	sbr.ind lr, $3  }
0x3a: {  	_ = 	snop  }
0x3b: {  	_ = 	snop  }
0x3c: {  	p2 =	seq.s32 s10, $0x1;
	s10 =	sld [smem:$0x3FA7]  }
0x3d: {  	_ =	shalt  }
0x3e: {  	_ =	shalt  }
0x3f: {  	_ =	shalt  }
0x40: {  	_ =	shalt  }
0x41: {  	_ =	shalt  }
0x42: {  	_ =	shalt  }
0x43: {  	_ =	shalt  }
0x44: {  	_ =	shalt  }
0x45: {  	_ =	shalt  }
0x46: {  	_ =	shalt  }
0x47: {  	_ =	shalt  }
0x48: {  	_ =	shalt  }
0x49: {  	_ =	shalt  }
0x4a: {  	_ =	shalt  }
0x4b: {  	_ =	shalt  }
0x4c: {  	_ =	shalt  }
0x4d: {  	_ =	shalt  }
0x4e: {  	_ =	shalt  }
0x4f: {  	_ =	shalt  }
0x50: {  	_ =	shalt  }
0x51: {  	_ =	shalt  }
0x52: {  	_ =	shalt  }
0x53: {  	_ =	shalt  }
0x54: {  	_ =	shalt  }
0x55: {  	_ =	shalt  }
0x56: {  	_ =	shalt  }
0x57: {  	_ =	shalt  }
0x58: {  	_ =	shalt  }
0x59: {  	_ =	shalt  }
0x5a: {  	_ =	shalt  }
0x5b: {  	_ =	shalt  }
0x5c: {  	_ =	shalt  }
0x5d: {  	_ =	shalt  }
0x5e: {  	_ =	shalt  }
0x5f: {  	_ =	shalt  }
0x60: {  	_ =	shalt  }
0x61: {  	_ =	shalt  }
0x62: {  	_ =	shalt  }
0x63: {  	_ =	shalt  }
0x64: {  	_ =	shalt  }
0x65: {  	_ =	shalt  }
0x66: {  	_ =	shalt  }
0x67: {  	_ =	shalt  }
0x68: {  	_ =	shalt  }
0x69: {  	_ =	shalt  }
0x6a: {  	_ =	shalt  }
0x6b: {  	_ =	shalt  }
0x6c: {  	_ =	shalt  }
0x6d: {  	_ =	shalt  }
0x6e: {  	_ =	shalt  }
0x6f: {  	_ =	shalt  }
0x70: {  	_ =	shalt  }
0x71: {  	_ =	shalt  }
0x72: {  	_ =	shalt  }
0x73: {  	_ =	shalt  }
0x74: {  	_ =	shalt  }
0x75: {  	_ =	shalt  }
0x76: {  	_ =	shalt  }
0x77: {  	_ =	shalt  }
0x78: {  	_ =	shalt  }
0x79: {  	_ =	shalt  }
0x7a: {  	_ =	shalt  }
0x7b: {  	_ =	shalt  }
0x7c: {  	_ =	shalt  }
0x7d: {  	_ =	shalt  }
0x7e: {  	_ =	shalt  }
0x7f: {  	_ =	shalt  }
0x80: {  	_ =	shalt  }
0x81: {  	_ =	shalt  }
0x82: {  	_ =	shalt  }
0x83: {  	_ =	shalt  }
0x84: {  	_ =	shalt  }
0x85: {  	_ =	shalt  }
0x86: {  	_ =	shalt  }
0x87: {  	_ =	shalt  }
.Lfunc_end0:
.L_simem_size_0:
called_computation_lowered:
.L_overlay_start_0:
0x88: {  	s2 =	sld [smem:$0x3FD9]  }
0x89: {  	s3 =	sld [smem:$0x3FFE];
	_ =	sdelay $0x1  }
0x8a: {  	s1 =	srdreg.scid  }
0x8b: {  	s0 =	sand.u32 $0x1, s1  }
0x8c: {  	s17 =	sshll.u32 s0, $0xA;
	s2 =	sadd.s32 s3, s2  }
0x8d: {  	s2 =	sadd.s32 s2, s17  }
0x8e: {  	[smem:$0x3FB3] =	sst s2  }
0x8f: {  	_ = 	snop  }
0x90: {  	s2 =	sld [smem:$0x3FD0];
	(tm) =	ssettm $0x1  }
0x91: {  	s18 =	sld [smem:$0x3FFB];
	_ =	sdelay $0x3  }
0x92: {  	_ =	strace s18  }
0x93: {  	s3 =	sld [smem:$0x3FFC];
	_ =	sdelay $0x3  }
0x94: {  	_ =	strace s3  }
0x95: {  	s3 =	sld [smem:$0x3FFD];
	_ =	sdelay $0x3  }
0x96: {  	_ =	strace s3  }
0x97: {  	_ =	strace $0x8FFFFFFF  }
0x98: {  	s19 =	sld [smem:$0x3FDB];
	_ =	sdelay $0x1  }
0x99: {  	s4 =	simm.s32 $_scs_section_size  }
0x9a: {  	s5 =	simm.s32 $_size__tile_overlayer_lowered;
	s6 =	simm.s32 $_tile_overlayer_lowered  }
0x9b: {  	s22 =	simm.s32 $0x1BFF;
	s21 =	sshll.u32 s6, $0x1;
	s3 =	sadd.s32 s4, s19  }
0x9c: {  	s7 =	simm.s32 $0x0;
	s20 =	sshll.u32 s5, $0x1;
	s5 =	sadd.s32 s21, s3  }
0x9d: {  	[timem:s7], [sflag:s22] =	dma.local [hbm:s5], s20  }
0x9e: {  	_ =	swait.ge [sflag:s22], s20  }
0x9f: {  	s4 =	ssub.s32 $0x0, s20;
	[sflag:s22] =	ssyncset.done $0x0  }
0xa0: {  	[sflag:s22] =	ssyncadd.s32 s4;
	_ =	sdelay $0x1  }
0xa1: {  	s23 =	simm.s32 $0x1B8B  }
0xa2: {  	_ =	swait.ge [sflag:s23], $0x1  }
0xa3: {  	[sflag:s23] =	ssyncset.done $0x0  }
0xa4: {  	s25 =	simm.s32 $0x1B8E;
	s24 =	sld [smem:$0x3FFE];
	[sflag:s23] =	ssyncadd.s32 $0xFFFFFFFF  }
0xa5: {  	s26 =	simm.s32 $execute0_lowered;
	[smem:$0x3FD2] =	sst s25  }
0xa6: {  	s5 =	sshll.u32 s26, $0x1;
	_ =	strace $0x80000046;
	[dreg:$0x1] =	wrdreg $0xFFFFFFFF  }
0xa7: {  	s28 =	simm.s32 $_size_execute0_lowered;
	s3 =	sadd.s32 s3, s5;
	[dreg:$0x0] =	wrdreg $0x0  }
0xa8: {  	s5 =	sshll.u32 s28, $0x1;
	[dreg:$0x2] =	wrdreg s3  }
0xa9: {  	[dreg:$0x3] =	wrdreg s5  }
0xaa: {  	[dreg:$0x4] =	wrdreg $0xC0  }
0xab: {  	_ =	task [dreg:s7], $0x5FFFF  }
0xac: {  	[dreg:$0x1] =	wrdreg $0xFFFFFFFF  }
0xad: {  	[dreg:$0x0] =	wrdreg $0x60  }
0xae: {  	[dreg:$0x2] =	wrdreg s2  }
0xaf: {  	[dreg:$0x3] =	wrdreg s24  }
0xb0: {  	[dreg:$0x4] =	wrdreg $0x9  }
0xb1: {  	_ =	task.clear_ibuf [dreg:s7], $0x5FFFF;
	_ =	strace $0x90000046  }
0xb2: {  	s29 =	simm.s32 $0x9;
	_ =	strace $0x80000048  }
0xb3: {  	_ =	swait.ge [sflag:s29], $0x1  }
0xb4: {  	[sflag:s29] =	ssyncadd.s32 $0xFFFFFFFF  }
0xb5: {  	_ =	strace $0x90000048  }
0xb6: {  	_ =	sfence  }
0xb7: {  	s30 =	sld [smem:$0x0];
	_ =	sdelay $0x2  }
0xb8: {  	s31 =	sshll.u32 s1, $0xD;
	s1 =	sshrl.u32 s1, $0x2  }
0xb9: {  	s3 =	sand.u32 $0x4000, s31;
	s1 =	sadd.s32 s1, s30  }
0xba: {  	s0 =	sor.u32 s3, s0;
	s1 =	sshll.u32 s1, $0x11  }
0xbb: {  	s0 =	sor.u32 s1, s0  }
0xbc: {  	s0 =	sadd.s32 $0x8F2B, s0  }
0xbd: {  	[sflag:s0] =	ssyncadd.remote.s32 $0x1  }
0xbe: {  	_ =	sfence.sel $0xFFFF  }
0xbf: {  	[dreg:$0x0] =	wrdreg $0xFFFFFFFF;
	(pc) =	sbr.abs _section_cstart, $3  }
0xc0: {  	[dreg:$0x1] =	wrdreg $0xFFFFFFFF  }
0xc1: {  	_ =	task.clear_ibuf [dreg:s7], $0x2FFFF;
	_ =	strace $0x9FFFFFFF  }
0xc2: {  	(tm) =	ssettm $0x7FFFFFFF  }
0xc3: {  	_ =	shalt  }
tec
execute0_lowered:
.L_overlay_start_1:
0x0: {  	(tag) =	ssettag $0x1  }
0x1: {  	s6 =	rddreg [dreg:$0x0]  }
0x2: {  	s3 =	rddreg [dreg:$0x1]  }
0x3: {  	s0 =	rddreg [dreg:$0x2];
	s1 =	stileid.u32  }
0x4: {  	s2 =	simm.s32 $0x0;
	s5 =	srdreg.scid;
	s4 =	smul.u32 $0x3E000, s1  }
0x5: {  	[smem:$0x7FF] =	sst s2;
	s5 =	sand.u32 $0x1, s5;
	s7 =	smul.u32 $0x3E00, s1  }
0x6: {  	_ =	strace $0x80000047;
	s8 =	ssub.s32 $0x2, s5;
	s9 =	smul.u32 $0x1F00, s5  }
0x7: {  	s5 =	smul.u32 $0x1F000, s5;
	s10 =	sadd.s32 s4, s3;
	s31 =	sshrl.u32 s8, $0x1  }
0x8: {  	s3 =	sadd.s32 $0x18A200, s3;
	s4 =	ssub.s32 s8, s31;
	s7 =	sadd.s32 s9, s7  }
0x9: {  	s5 =	sadd.s32 s5, s10;
	s8 =	simm.s32 $0x80;
	s9 =	simm.s32 $0x1  }
0xa: {  	s10 =	simm.s32 $0x0;
	s4 =	smax.u32 s4, $0x1;
	s7 =	sshrl.u32 s7, $0x3  }
0xb: {  	s5 =	sadd.s32 $0x24D800, s5;
	s6 =	sadd.s32 s7, s6;
	s7 =	simm.s32 $0x2  }
.LBB2_1:
0xc: {  	s11 =	sadd.s32 $0x0, s6  }
0xd: {  	[tilespmem:s2], [sflag:$0x2] =	stream.linear.gather [hbm4b:s11+s2], $0x80, $0x38;
	[tilespmem:$0x4080] =	vst v63  }
0xe: {  	_ =	swait.ge [sflag:s7], $0x80  }
0xf: {  	[sflag:s7] =	ssyncset.done $0x0  }
0x10: {  	[sflag:s7] =	ssyncadd.s32 $0xFFFFFF80  }
0x11: {  	[tilespmem:s8], [sflag:$0x1] =	stream.indirect.gather [hbm4b:s3+s8], $0x80, s2, s8, $0xb8;
	[tilespmem:$0x4080] =	vst v63  }
0x12: {  	_ =	swait.ge [sflag:s9], $0x4000  }
0x13: {  	[sflag:s9] =	ssyncset.done $0x0  }
0x14: {  	[sflag:s9] =	ssyncadd.s32 $0xFFFFC000  }
0x15: {  	[hbm4b:s5+s2] =	stream.linear.scatter [tilespmem:s8], [sflag:$0x2], $0x4000, $0x38;
	[tilespmem:$0x4080] =	vst v63  }
0x16: {  	s12 =	simm.s32 $0x10;
	_ =	swait.ge [sflag:s7], $0x4000  }
0x17: {  	s13 =	simm.s32 $0x20;
	s11 =	sadd.s32 $0x800, s5;
	[sflag:s7] =	ssyncset.done $0x0  }
.LBB2_2:
0x18: {  	s14 =	sadd.s32 s12, s6  }
0x19: {  	[sflag:s7] =	ssyncadd.s32 $0xFFFFC000;
	s12 =	smov.u32 s13;
	s15 =	sadd.s32 $0x10, s13  }
0x1a: {  	[tilespmem:s2], [sflag:$0x2] =	stream.linear.gather [hbm4b:s14+s2], $0x80, $0x38;
	[tilespmem:$0x4080] =	vst v63  }
0x1b: {  	p0 =	sne.s32 s13, $0x3D0;
	_ =	swait.ge [sflag:s7], $0x80  }
0x1c: {  	[sflag:s7] =	ssyncset.done $0x0  }
0x1d: {  	[sflag:s7] =	ssyncadd.s32 $0xFFFFFF80  }
0x1e: {  	[tilespmem:s8], [sflag:$0x1] =	stream.indirect.gather [hbm4b:s3+s8], $0x80, s2, s8, $0xb8;
	[tilespmem:$0x4080] =	vst v63  }
0x1f: {  	_ =	swait.ge [sflag:s9], $0x4000  }
.Ltmp0:
0x20: {  	[sflag:s9] =	ssyncset.done $0x0;
	(pc) =	sbr.rel @p0 .LBB2_2-.Ltmp0, $4  }
0x21: {  	[sflag:s9] =	ssyncadd.s32 $0xFFFFC000  }
0x22: {  	[hbm4b:s11+s2] =	stream.linear.scatter [tilespmem:s8], [sflag:$0x2], $0x4000, $0x38;
	[tilespmem:$0x4080] =	vst v63  }
0x23: {  	_ =	swait.ge [sflag:s7], $0x4000  }
0x24: {  	s13 =	smov.u32 s15;
	s11 =	sadd.s32 $0x800, s11;
	[sflag:s7] =	ssyncset.done $0x0  }
0x25: {  	s12 =	sadd.s32 s12, s6;
	[sflag:s7] =	ssyncadd.s32 $0xFFFFC000  }
0x26: {  	[tilespmem:s2], [sflag:$0x2] =	stream.linear.gather [hbm4b:s12+s2], $0x80, $0x38;
	[tilespmem:$0x4080] =	vst v63  }
0x27: {  	_ =	swait.ge [sflag:s7], $0x80  }
0x28: {  	[sflag:s7] =	ssyncset.done $0x0  }
0x29: {  	[sflag:s7] =	ssyncadd.s32 $0xFFFFFF80  }
0x2a: {  	[tilespmem:s8], [sflag:$0x1] =	stream.indirect.gather [hbm4b:s3+s8], $0x80, s2, s8, $0xb8;
	[tilespmem:$0x4080] =	vst v63  }
0x2b: {  	s10 =	sadd.s32 $0x1, s10;
	_ =	swait.ge [sflag:s9], $0x4000  }
0x2c: {  	p0 =	sne.s32 s10, s4;
	[sflag:s9] =	ssyncset.done $0x0  }
.Ltmp1:
0x2d: {  	[sflag:s9] =	ssyncadd.s32 $0xFFFFC000;
	(pc) =	sbr.rel @p0 .LBB2_1-.Ltmp1, $4  }
0x2e: {  	[hbm4b:s11+s2] =	stream.linear.scatter [tilespmem:s8], [sflag:$0x2], $0x4000, $0x38;
	[tilespmem:$0x4080] =	vst v63  }
0x2f: {  	_ =	swait.ge [sflag:s7], $0x4000  }
0x30: {  	[sflag:s7] =	ssyncset.done $0x0  }
0x31: {  	[sflag:s7] =	ssyncadd.s32 $0xFFFFC000  }
0x32: {  	_ =	sfence.sel $0x180000  }
0x33: {  	[bflag:$0x0] =	sbarrier.arrive $0xFFFF  }
0x34: {  	p0 =	sne.s32 s1, $0x0;
	_ =	strace $0x90000047  }
0x35: {  	s0 =	sadd.s32 @!p0 $0x100000, s0;
	[bflag:$0x2] =	sbarrier.arrive $0xFFFF  }
0x36: {  	[sflag:s0] =	ssyncadd.tile.s32 @!p0 $0x1;
	_ =	shalt  }
.Lfunc_end2:
_tile_overlayer_lowered:
.L_overlay_start_2:
0x37: {  	(tag) =	ssettag $0x2  }
0x38: {  	s0 =	rddreg [dreg:$0x0];
	s2 =	stileid.u32  }
0x39: {  	s1 =	rddreg [dreg:$0x1];
	p0 =	sne.s32 s2, $0x0  }
0x3a: {  	s3 =	rddreg [dreg:$0x2];
	[bflag:$0x3] =	sbarrier.arrive $0xFFFF;
	s2 =	simm.s32 @!p0 $0x1C02  }
0x3b: {  	[timem:s3], [sflag:s2] =	dma.local @!p0 [hbm:s0], s1  }
0x3c: {  	s0 =	simm.s32 @!p0 $0x2  }
0x3d: {  	_ =	swait.ge @!p0 [sflag:s0], s1  }
0x3e: {  	s1 =	ssub.s32 @!p0 $0x0, s1;
	[sflag:s0] =	ssyncset.done @!p0 $0x0  }
0x3f: {  	[sflag:s0] =	ssyncadd.s32 @!p0 s1  }
0x40: {  	[bflag:$0x3] =	sbarrier.arrive $0xFFFF  }
0x41: {  	_ =	shalt  }

</sc_bundles>
